<compile_context>
chip_gen: v7x
topology: tpu7x:2x2x1
jax: 0.10.2.dev20260603
libtpu: 0.0.44.dev20260713+nightly
codegen_flags: <defaults>
</compile_context>

<pallas_src>
import functools

import jax
import jax.numpy as jnp
from jax import lax
from jax.experimental import pallas as pl
from jax.experimental.pallas import tpu as pltpu
from jax.experimental.pallas import tpu_sc as plsc

_N = 10000
_E = 320000
_D = 128
_NC = 2
_NS = 16
_K = 80
_C = 128
_EP = _NC * _NS * _K * _C
_KH = _K // 2
_NP = 10112
_RPT = _NP // _NS

_BLK = 2000



def _edge_of(h, w1_ref, b1_ref, w2_ref, b2_ref):
    t = jnp.tanh(
        jnp.dot(h, w1_ref[...], preferred_element_type=jnp.float32)
        + b1_ref[...])
    return jnp.dot(t, w2_ref[...],
                   preferred_element_type=jnp.float32) + b2_ref[...]


def _in_edge_body(x_ref, wi_ref, bi_ref, w1_ref, b1_ref, w2_ref, b2_ref,
                  h_ref, m_ref):
    h = jnp.tanh(
        jnp.dot(x_ref[...], wi_ref[...], preferred_element_type=jnp.float32)
        + bi_ref[...])
    h_ref[...] = h
    m_ref[...] = _edge_of(h, w1_ref, b1_ref, w2_ref, b2_ref)


def _in_edge(x, Wi, bi, W1, b1, W2, b2):
    w = pl.BlockSpec((_D, _D), lambda i: (0, 0))
    b = pl.BlockSpec((1, _D), lambda i: (0, 0))
    r = pl.BlockSpec((_BLK, _D), lambda i: (i, 0))
    f = jax.ShapeDtypeStruct((_N, _D), jnp.float32)
    return pl.pallas_call(
        _in_edge_body,
        grid=(_N // _BLK,),
        in_specs=[r, w, b, w, b, w, b],
        out_specs=[r, r],
        out_shape=[f, f],
    )(x, Wi, bi, W1, b1, W2, b2)


def _node_of(h_ref, p_ref, wh_ref, wm_ref, b_ref):
    m = p_ref[0] + p_ref[1]
    return jnp.tanh(
        jnp.dot(h_ref[...], wh_ref[...], preferred_element_type=jnp.float32)
        + jnp.dot(m, wm_ref[...], preferred_element_type=jnp.float32)
        + b_ref[...])


def _node_edge_body(h_ref, p_ref, wh_ref, wm_ref, bn_ref,
                    w1_ref, b1_ref, w2_ref, b2_ref, h2_ref, m_ref):
    h2 = _node_of(h_ref, p_ref, wh_ref, wm_ref, bn_ref)
    h2_ref[...] = h2
    m_ref[...] = _edge_of(h2, w1_ref, b1_ref, w2_ref, b2_ref)


def _node_edge(h, parts, Wh, Wm, bn, W1, b1, W2, b2):
    w = pl.BlockSpec((_D, _D), lambda i: (0, 0))
    b = pl.BlockSpec((1, _D), lambda i: (0, 0))
    r = pl.BlockSpec((_BLK, _D), lambda i: (i, 0))
    p = pl.BlockSpec((_NC, _BLK, _D), lambda i: (0, i, 0))
    f = jax.ShapeDtypeStruct((_N, _D), jnp.float32)
    return pl.pallas_call(
        _node_edge_body,
        grid=(_N // _BLK,),
        in_specs=[r, p, w, w, b, w, b, w, b],
        out_specs=[r, r],
        out_shape=[f, f],
    )(h, parts, Wh, Wm, bn, W1, b1, W2, b2)


def _node_out_body(h_ref, p_ref, wh_ref, wm_ref, bn_ref, wo_ref, bo_ref,
                   o_ref):
    h2 = _node_of(h_ref, p_ref, wh_ref, wm_ref, bn_ref)
    o_ref[...] = jnp.dot(h2, wo_ref[...],
                         preferred_element_type=jnp.float32) + bo_ref[...]


def _node_out(h, parts, Wh, Wm, bn, Wo, bo):
    w = pl.BlockSpec((_D, _D), lambda i: (0, 0))
    b = pl.BlockSpec((1, _D), lambda i: (0, 0))
    r = pl.BlockSpec((_BLK, _D), lambda i: (i, 0))
    p = pl.BlockSpec((_NC, _BLK, _D), lambda i: (0, i, 0))
    return pl.pallas_call(
        _node_out_body,
        grid=(_N // _BLK,),
        in_specs=[r, p, w, w, b,
                  pl.BlockSpec((_D, 1), lambda i: (0, 0)),
                  pl.BlockSpec((1, 1), lambda i: (0, 0))],
        out_specs=pl.BlockSpec((_BLK, 1), lambda i: (i, 0)),
        out_shape=jax.ShapeDtypeStruct((_N, 1), jnp.float32),
    )(h, parts, Wh, Wm, bn, Wo, bo)



def _sc_body(mall_hbm, src_hbm, dst_hbm, zeros_hbm, out_hbm,
             src_v, dst_v, rows_a, rows_b, acc, sem_a, sem_b, sem_z):
    c = lax.axis_index("c")
    s = lax.axis_index("s")
    pltpu.async_copy(zeros_hbm.at[pl.ds(s * _RPT, _RPT)],
                     acc.at[pl.ds(s * _RPT, _RPT)], sem_z)

    for p in range(_K // _KH):
        pltpu.sync_copy(src_hbm.at[c, s, pl.ds(p * _KH, _KH)], src_v)
        pltpu.sync_copy(dst_hbm.at[c, s, pl.ds(p * _KH, _KH)], dst_v)
        pltpu.async_copy(mall_hbm.at[src_v.at[0]], rows_a, sem_a)
        pltpu.async_copy(mall_hbm.at[src_v.at[1]], rows_b, sem_b)
        if p == 0:
            pltpu.make_async_copy(zeros_hbm.at[pl.ds(s * _RPT, _RPT)],
                                  acc.at[pl.ds(s * _RPT, _RPT)],
                                  sem_z).wait()
            plsc.subcore_barrier()

        def body(gg, carry):
            g = gg * 2
            pltpu.make_async_copy(mall_hbm.at[src_v.at[g]], rows_a,
                                  sem_a).wait()
            pltpu.sync_copy(rows_a, acc.at[dst_v.at[g]], add=True)

            @pl.when(g + 2 < _KH)
            def _():
                pltpu.async_copy(mall_hbm.at[src_v.at[g + 2]], rows_a, sem_a)

            pltpu.make_async_copy(mall_hbm.at[src_v.at[g + 1]], rows_b,
                                  sem_b).wait()
            pltpu.sync_copy(rows_b, acc.at[dst_v.at[g + 1]], add=True)

            @pl.when(g + 3 < _KH)
            def _():
                pltpu.async_copy(mall_hbm.at[src_v.at[g + 3]], rows_b, sem_b)

            return carry

        lax.fori_loop(0, _KH // 2, body, 0)
    plsc.subcore_barrier()
    pltpu.sync_copy(acc.at[pl.ds(s * _RPT, _RPT)],
                    out_hbm.at[c, pl.ds(s * _RPT, _RPT)])


def _sc_segsum(m_all, src, dst, zeros):
    mesh = plsc.VectorSubcoreMesh(core_axis_name="c", subcore_axis_name="s")
    f = functools.partial(
        pl.kernel,
        out_type=jax.ShapeDtypeStruct((_NC, _NP, _D), jnp.float32),
        mesh=mesh,
        scratch_types=[
            pltpu.VMEM((_KH, _C), jnp.int32),
            pltpu.VMEM((_KH, _C), jnp.int32),
            pltpu.VMEM((_C, _D), jnp.float32),
            pltpu.VMEM((_C, _D), jnp.float32),
            pltpu.VMEM_SHARED((_NP, _D), jnp.float32),
            pltpu.SemaphoreType.DMA,
            pltpu.SemaphoreType.DMA,
            pltpu.SemaphoreType.DMA,
        ],
    )(_sc_body)
    return f(m_all, src, dst, zeros)


def kernel(x, edge_index, W_in, b_in, W_e1, b_e1, W_e2, b_e2, W_n, b_n,
           W_out, b_out):
    pad = _EP - _E
    pad_ids = lax.iota(jnp.int32, pad)
    src = jnp.concatenate(
        [edge_index[0], pad_ids % _N]).reshape(_NC, _NS, _K, _C)
    dst = jnp.concatenate(
        [edge_index[1], _N + pad_ids % (_NP - _N)]).reshape(
            _NC, _NS, _K, _C)
    zeros = jnp.zeros((_NP, _D), jnp.float32)
    b_in2 = b_in.reshape(1, _D)
    b_e12 = b_e1.reshape(1, _D)
    b_e22 = b_e2.reshape(1, _D)
    b_n2 = b_n.reshape(1, _D)
    b_out2 = b_out.reshape(1, 1)
    W_nh = W_n[:_D]
    W_nm = W_n[_D:]

    h, m_all = _in_edge(x, W_in, b_in2, W_e1, b_e12, W_e2, b_e22)
    parts = _sc_segsum(m_all, src, dst, zeros)
    h, m_all = _node_edge(h, parts, W_nh, W_nm, b_n2,
                          W_e1, b_e12, W_e2, b_e22)
    parts = _sc_segsum(m_all, src, dst, zeros)
    return _node_out(h, parts, W_nh, W_nm, b_n2, W_out, b_out2)

# --- scband reference (transcript-rebuilt; emitter-appended) ---
"""Pipeline reference for scband-graph-network-44263932952753 (READ-ONLY COPY).

The authoritative reference and input builder live on the scoring server;
editing this copy changes nothing except your own understanding.
"""

import jax, jax.numpy as jnp
import numpy as np

N_NODES = 10000
N_EDGES = 320000
D_IN = 128
D_H = 128
D_OUT = 1
PROP_STEPS = 2


def setup_inputs(seed: int = 0) -> dict:
    key = jax.random.key(seed)
    ks = jax.random.split(key, 12)
    s_in = 1.0 / np.sqrt(D_IN)
    s_h = 1.0 / np.sqrt(D_H)
    s_2h = 1.0 / np.sqrt(2 * D_H)
    return {
        "x": jax.random.normal(ks[0], (N_NODES, D_IN), dtype=jnp.float32),
        "edge_index": jax.random.randint(ks[1], (2, N_EDGES), 0, N_NODES, dtype=jnp.int32),
        "W_in": jax.random.uniform(ks[2], (D_IN, D_H), jnp.float32, -s_in, s_in),
        "b_in": jnp.zeros((D_H,), jnp.float32),
        "W_e1": jax.random.uniform(ks[3], (D_H, D_H), jnp.float32, -s_h, s_h),
        "b_e1": jnp.zeros((D_H,), jnp.float32),
        "W_e2": jax.random.uniform(ks[4], (D_H, D_H), jnp.float32, -s_h, s_h),
        "b_e2": jnp.zeros((D_H,), jnp.float32),
        "W_n": jax.random.uniform(ks[5], (2 * D_H, D_H), jnp.float32, -s_2h, s_2h),
        "b_n": jnp.zeros((D_H,), jnp.float32),
        "W_out": jax.random.uniform(ks[6], (D_H, D_OUT), jnp.float32, -s_h, s_h),
        "b_out": jnp.zeros((D_OUT,), jnp.float32),
    }


def reference(x, edge_index, W_in, b_in, W_e1, b_e1, W_e2, b_e2, W_n, b_n, W_out, b_out):
    # input_model: MLP(input_size, [hidden_size]) -> single hidden layer w/ tanh
    h = jnp.tanh(x @ W_in + b_in)
    in_node = edge_index[0]
    out_node = edge_index[1]
    for _ in range(PROP_STEPS):
        # edge_model (unified): MLP(hidden, network_shape=[128], hidden)
        m_all = jnp.tanh(h @ W_e1 + b_e1) @ W_e2 + b_e2
        # gather messages along source nodes of each edge
        m = m_all[in_node]
        # node_agg_fn_type == 'sum' -> scatter_add over destination nodes
        m = jax.ops.segment_sum(m, out_node, num_segments=N_NODES)
        # node_model (unified, mlp): MLP(2*hidden, [128])
        h = jnp.tanh(jnp.concatenate([h, m], axis=-1) @ W_n + b_n)
    # output_model (unified): MLP(hidden, [], output_size) -> single linear layer
    out = h @ W_out + b_out
    return out

if __name__ == "__main__":
    import jax
    _d = setup_inputs()
    print(jax.jit(kernel)(*tuple(_d.values())))

</pallas_src>

<mosaic_0001>
#map = affine_map<(d0, d1) -> (0, 0)>
#map1 = affine_map<(d0, d1) -> (0, 0, 0, 0)>
#map2 = affine_map<(d0, d1) -> (0, 0, 0)>
module attributes {stable_mosaic.version = 14 : i64} {
  func.func @_sc_body(%arg0: i32, %arg1: i32, %arg2: memref<10000x128xf32, #tpu.memory_space<hbm>>, %arg3: memref<2x16x80x128xi32, #tpu.memory_space<hbm>>, %arg4: memref<2x16x80x128xi32, #tpu.memory_space<hbm>>, %arg5: memref<10112x128xf32, #tpu.memory_space<hbm>>, %arg6: memref<2x10112x128xf32, #tpu.memory_space<hbm>>, %arg7: memref<40x128xi32, #tpu.memory_space<vmem>>, %arg8: memref<40x128xi32, #tpu.memory_space<vmem>>, %arg9: memref<128x128xf32, #tpu.memory_space<vmem>>, %arg10: memref<128x128xf32, #tpu.memory_space<vmem>>, %arg11: memref<10112x128xf32, #tpu.memory_space<vmem_shared>>, %arg12: memref<!tpu.dma_semaphore, #tpu.memory_space<semaphore_mem>>, %arg13: memref<!tpu.dma_semaphore, #tpu.memory_space<semaphore_mem>>, %arg14: memref<!tpu.dma_semaphore, #tpu.memory_space<semaphore_mem>>) attributes {dimension_semantics = [#tpu.dimension_semantics<core_parallel>, #tpu.dimension_semantics<subcore_parallel>], iteration_bounds = array<i64: 2, 16>, scalar_prefetch = 0 : i64, scratch_operands = 8 : i64, tpu.core_type = #tpu.core_type<sc_vector_subcore>, window_params = [{transform_indices = #map}, {transform_indices = #map1}, {transform_indices = #map1}, {transform_indices = #map}, {transform_indices = #map2}]} {
    %mul3A = arith.constant 632 : i32
    %mul3A_0 = arith.muli %arg1, %mul3A : i32
    %mul3A_1 = arith.constant 632 : i32
    %mul3A_2 = arith.muli %arg1, %mul3A_1 : i32
    %dma_start3A = arith.constant 0 : i32
    %dma_start3A_3 = tpu.memref_slice %arg11[%mul3A_2, %dma_start3A] : memref<10112x128xf32, #tpu.memory_space<vmem_shared>> -> memref<632x128xf32, #tpu.memory_space<vmem_shared>>
    %dma_start3A_4 = arith.constant 0 : i32
    %dma_start3A_5 = tpu.memref_slice %arg5[%mul3A_0, %dma_start3A_4] : memref<10112x128xf32, #tpu.memory_space<hbm>> -> memref<632x128xf32, #tpu.memory_space<hbm>>
    tpu.enqueue_dma source(%dma_start3A_5 : memref<632x128xf32, #tpu.memory_space<hbm>>) target(%dma_start3A_3 : memref<632x128xf32, #tpu.memory_space<vmem_shared>>) target_semaphore(%arg14 : memref<!tpu.dma_semaphore, #tpu.memory_space<semaphore_mem>>)
    "tpu.region"() ({
      %run_scoped3A = tpu.sem_alloc : memref<!tpu.dma_semaphore, #tpu.memory_space<semaphore_mem>>
      %dma_start3A_57 = arith.constant 0 : i32
      %dma_start3A_58 = arith.constant 0 : i32
      %dma_start3A_59 = tpu.memref_slice %arg3[%arg0, %arg1, %dma_start3A_57, %dma_start3A_58] : memref<2x16x80x128xi32, #tpu.memory_space<hbm>> -> memref<1x1x40x128xi32, #tpu.memory_space<hbm>>
      %dma_start3A_60 = tpu.memref_squeeze %dma_start3A_59 : memref<1x1x40x128xi32, #tpu.memory_space<hbm>> -> memref<40x128xi32, #tpu.memory_space<hbm>>
      %dma_start3A_61 = arith.constant 0 : i32
      %dma_start3A_62 = arith.constant 0 : i32
      %dma_start3A_63 = tpu.memref_slice %arg3[%arg0, %arg1, %dma_start3A_61, %dma_start3A_62] : memref<2x16x80x128xi32, #tpu.memory_space<hbm>> -> memref<1x1x40x128xi32, #tpu.memory_space<hbm>>
      %dma_start3A_64 = tpu.memref_squeeze %dma_start3A_63 : memref<1x1x40x128xi32, #tpu.memory_space<hbm>> -> memref<40x128xi32, #tpu.memory_space<hbm>>
      tpu.enqueue_dma source(%dma_start3A_64 : memref<40x128xi32, #tpu.memory_space<hbm>>) target(%arg7 : memref<40x128xi32, #tpu.memory_space<vmem>>) target_semaphore(%run_scoped3A : memref<!tpu.dma_semaphore, #tpu.memory_space<semaphore_mem>>)
      %dma_wait3A_65 = arith.constant 0 : i32
      %dma_wait3A_66 = arith.constant 0 : i32
      %dma_wait3A_67 = tpu.memref_slice %arg3[%arg0, %arg1, %dma_wait3A_65, %dma_wait3A_66] : memref<2x16x80x128xi32, #tpu.memory_space<hbm>> -> memref<1x1x40x128xi32, #tpu.memory_space<hbm>>
      %dma_wait3A_68 = tpu.memref_squeeze %dma_wait3A_67 : memref<1x1x40x128xi32, #tpu.memory_space<hbm>> -> memref<40x128xi32, #tpu.memory_space<hbm>>
      %dma_wait3A_69 = arith.constant 0 : i32
      %dma_wait3A_70 = arith.constant 0 : i32
      %dma_wait3A_71 = tpu.memref_slice %arg3[%arg0, %arg1, %dma_wait3A_69, %dma_wait3A_70] : memref<2x16x80x128xi32, #tpu.memory_space<hbm>> -> memref<1x1x40x128xi32, #tpu.memory_space<hbm>>
      %dma_wait3A_72 = tpu.memref_squeeze %dma_wait3A_71 : memref<1x1x40x128xi32, #tpu.memory_space<hbm>> -> memref<40x128xi32, #tpu.memory_space<hbm>>
      tpu.wait_dma2 semaphore(%run_scoped3A : memref<!tpu.dma_semaphore, #tpu.memory_space<semaphore_mem>>) src(%dma_wait3A_72 : memref<40x128xi32, #tpu.memory_space<hbm>>) dst(%arg7 : memref<40x128xi32, #tpu.memory_space<vmem>>)
      tpu.yield
    }) : () -> ()
    "tpu.region"() ({
      %run_scoped3A = tpu.sem_alloc : memref<!tpu.dma_semaphore, #tpu.memory_space<semaphore_mem>>
      %dma_start3A_57 = arith.constant 0 : i32
      %dma_start3A_58 = arith.constant 0 : i32
      %dma_start3A_59 = tpu.memref_slice %arg4[%arg0, %arg1, %dma_start3A_57, %dma_start3A_58] : memref<2x16x80x128xi32, #tpu.memory_space<hbm>> -> memref<1x1x40x128xi32, #tpu.memory_space<hbm>>
      %dma_start3A_60 = tpu.memref_squeeze %dma_start3A_59 : memref<1x1x40x128xi32, #tpu.memory_space<hbm>> -> memref<40x128xi32, #tpu.memory_space<hbm>>
      %dma_start3A_61 = arith.constant 0 : i32
      %dma_start3A_62 = arith.constant 0 : i32
      %dma_start3A_63 = tpu.memref_slice %arg4[%arg0, %arg1, %dma_start3A_61, %dma_start3A_62] : memref<2x16x80x128xi32, #tpu.memory_space<hbm>> -> memref<1x1x40x128xi32, #tpu.memory_space<hbm>>
      %dma_start3A_64 = tpu.memref_squeeze %dma_start3A_63 : memref<1x1x40x128xi32, #tpu.memory_space<hbm>> -> memref<40x128xi32, #tpu.memory_space<hbm>>
      tpu.enqueue_dma source(%dma_start3A_64 : memref<40x128xi32, #tpu.memory_space<hbm>>) target(%arg8 : memref<40x128xi32, #tpu.memory_space<vmem>>) target_semaphore(%run_scoped3A : memref<!tpu.dma_semaphore, #tpu.memory_space<semaphore_mem>>)
      %dma_wait3A_65 = arith.constant 0 : i32
      %dma_wait3A_66 = arith.constant 0 : i32
      %dma_wait3A_67 = tpu.memref_slice %arg4[%arg0, %arg1, %dma_wait3A_65, %dma_wait3A_66] : memref<2x16x80x128xi32, #tpu.memory_space<hbm>> -> memref<1x1x40x128xi32, #tpu.memory_space<hbm>>
      %dma_wait3A_68 = tpu.memref_squeeze %dma_wait3A_67 : memref<1x1x40x128xi32, #tpu.memory_space<hbm>> -> memref<40x128xi32, #tpu.memory_space<hbm>>
      %dma_wait3A_69 = arith.constant 0 : i32
      %dma_wait3A_70 = arith.constant 0 : i32
      %dma_wait3A_71 = tpu.memref_slice %arg4[%arg0, %arg1, %dma_wait3A_69, %dma_wait3A_70] : memref<2x16x80x128xi32, #tpu.memory_space<hbm>> -> memref<1x1x40x128xi32, #tpu.memory_space<hbm>>
      %dma_wait3A_72 = tpu.memref_squeeze %dma_wait3A_71 : memref<1x1x40x128xi32, #tpu.memory_space<hbm>> -> memref<40x128xi32, #tpu.memory_space<hbm>>
      tpu.wait_dma2 semaphore(%run_scoped3A : memref<!tpu.dma_semaphore, #tpu.memory_space<semaphore_mem>>) src(%dma_wait3A_72 : memref<40x128xi32, #tpu.memory_space<hbm>>) dst(%arg8 : memref<40x128xi32, #tpu.memory_space<vmem>>)
      tpu.yield
    }) : () -> ()
    %dma_start3A_6 = arith.constant 0 : i32
    %dma_start3A_7 = arith.constant 0 : i32
    %dma_start3A_8 = tpu.memref_slice %arg7[%dma_start3A_6, %dma_start3A_7] : memref<40x128xi32, #tpu.memory_space<vmem>> -> memref<1x128xi32, #tpu.memory_space<vmem>>
    %dma_start3A_9 = tpu.memref_squeeze %dma_start3A_8 : memref<1x128xi32, #tpu.memory_space<vmem>> -> memref<128xi32, #tpu.memory_space<vmem>>
    %dma_start3A_10 = arith.constant 0 : i32
    %dma_start3A_11 = arith.constant 0 : i32
    %dma_start3A_12 = tpu.memref_slice %arg2[%dma_start3A_10, %dma_start3A_11] : memref<10000x128xf32, #tpu.memory_space<hbm>> -> memref<10000x128xf32, #tpu.memory_space<hbm>>
    tpu.enqueue_indirect_dma source(%dma_start3A_12 : memref<10000x128xf32, #tpu.memory_space<hbm>>) target(%arg9 : memref<128x128xf32, #tpu.memory_space<vmem>>) offsets(%dma_start3A_9 : memref<128xi32, #tpu.memory_space<vmem>>) semaphore(%arg12 : memref<!tpu.dma_semaphore, #tpu.memory_space<semaphore_mem>>)
    %dma_start3A_13 = arith.constant 1 : i32
    %dma_start3A_14 = arith.constant 0 : i32
    %dma_start3A_15 = tpu.memref_slice %arg7[%dma_start3A_13, %dma_start3A_14] : memref<40x128xi32, #tpu.memory_space<vmem>> -> memref<1x128xi32, #tpu.memory_space<vmem>>
    %dma_start3A_16 = tpu.memref_squeeze %dma_start3A_15 : memref<1x128xi32, #tpu.memory_space<vmem>> -> memref<128xi32, #tpu.memory_space<vmem>>
    %dma_start3A_17 = arith.constant 0 : i32
    %dma_start3A_18 = arith.constant 0 : i32
    %dma_start3A_19 = tpu.memref_slice %arg2[%dma_start3A_17, %dma_start3A_18] : memref<10000x128xf32, #tpu.memory_space<hbm>> -> memref<10000x128xf32, #tpu.memory_space<hbm>>
    tpu.enqueue_indirect_dma source(%dma_start3A_19 : memref<10000x128xf32, #tpu.memory_space<hbm>>) target(%arg10 : memref<128x128xf32, #tpu.memory_space<vmem>>) offsets(%dma_start3A_16 : memref<128xi32, #tpu.memory_space<vmem>>) semaphore(%arg13 : memref<!tpu.dma_semaphore, #tpu.memory_space<semaphore_mem>>)
    %mul3A_20 = arith.constant 632 : i32
    %mul3A_21 = arith.muli %arg1, %mul3A_20 : i32
    %mul3A_22 = arith.constant 632 : i32
    %mul3A_23 = arith.muli %arg1, %mul3A_22 : i32
    %dma_wait3A = arith.constant 0 : i32
    %dma_wait3A_24 = tpu.memref_slice %arg11[%mul3A_23, %dma_wait3A] : memref<10112x128xf32, #tpu.memory_space<vmem_shared>> -> memref<632x128xf32, #tpu.memory_space<vmem_shared>>
    %dma_wait3A_25 = arith.constant 0 : i32
    %dma_wait3A_26 = tpu.memref_slice %arg5[%mul3A_21, %dma_wait3A_25] : memref<10112x128xf32, #tpu.memory_space<hbm>> -> memref<632x128xf32, #tpu.memory_space<hbm>>
    tpu.wait_dma2 semaphore(%arg14 : memref<!tpu.dma_semaphore, #tpu.memory_space<semaphore_mem>>) src(%dma_wait3A_26 : memref<632x128xf32, #tpu.memory_space<hbm>>) dst(%dma_wait3A_24 : memref<632x128xf32, #tpu.memory_space<vmem_shared>>)
    %barrier3A = arith.constant 0 : index
    tpu.barrier barrier_id(%barrier3A)
    %scan3A = arith.constant 0 : i32
    %scan3A_27 = arith.constant 0 : i32
    %scan3A_28 = arith.constant 20 : i32
    %scan3A_29 = arith.addi %scan3A_27, %scan3A_28 : i32
    %scan3A_30 = arith.constant 1 : i32
    scf.for %scan3A_57 = %scan3A_27 to %scan3A_29 step %scan3A_30  : i32 {
      %mul3A_58 = arith.constant 2 : i32
      %mul3A_59 = arith.muli %scan3A_57, %mul3A_58 : i32
      %dma_wait3A_60 = arith.constant 0 : i32
      %dma_wait3A_61 = tpu.memref_slice %arg7[%mul3A_59, %dma_wait3A_60] : memref<40x128xi32, #tpu.memory_space<vmem>> -> memref<1x128xi32, #tpu.memory_space<vmem>>
      %dma_wait3A_62 = tpu.memref_squeeze %dma_wait3A_61 : memref<1x128xi32, #tpu.memory_space<vmem>> -> memref<128xi32, #tpu.memory_space<vmem>>
      %dma_wait3A_63 = arith.constant 0 : i32
      %dma_wait3A_64 = arith.constant 0 : i32
      %dma_wait3A_65 = tpu.memref_slice %arg2[%dma_wait3A_63, %dma_wait3A_64] : memref<10000x128xf32, #tpu.memory_space<hbm>> -> memref<10000x128xf32, #tpu.memory_space<hbm>>
      tpu.wait_indirect_dma semaphore(%arg12 : memref<!tpu.dma_semaphore, #tpu.memory_space<semaphore_mem>>) src(%dma_wait3A_65 : memref<10000x128xf32, #tpu.memory_space<hbm>>) dst(%arg9 : memref<128x128xf32, #tpu.memory_space<vmem>>)
      "tpu.region"() ({
        %run_scoped3A = tpu.sem_alloc : memref<!tpu.dma_semaphore, #tpu.memory_space<semaphore_mem>>
        %dma_start3A_86 = arith.constant 0 : i32
        %dma_start3A_87 = tpu.memref_slice %arg8[%mul3A_59, %dma_start3A_86] : memref<40x128xi32, #tpu.memory_space<vmem>> -> memref<1x128xi32, #tpu.memory_space<vmem>>
        %dma_start3A_88 = tpu.memref_squeeze %dma_start3A_87 : memref<1x128xi32, #tpu.memory_space<vmem>> -> memref<128xi32, #tpu.memory_space<vmem>>
        %dma_start3A_89 = arith.constant 0 : i32
        %dma_start3A_90 = arith.constant 0 : i32
        %dma_start3A_91 = tpu.memref_slice %arg11[%dma_start3A_89, %dma_start3A_90] : memref<10112x128xf32, #tpu.memory_space<vmem_shared>> -> memref<10112x128xf32, #tpu.memory_space<vmem_shared>>
        tpu.enqueue_indirect_dma source(%arg9 : memref<128x128xf32, #tpu.memory_space<vmem>>) target(%dma_start3A_91 : memref<10112x128xf32, #tpu.memory_space<vmem_shared>>) offsets(%dma_start3A_88 : memref<128xi32, #tpu.memory_space<vmem>>) semaphore(%run_scoped3A : memref<!tpu.dma_semaphore, #tpu.memory_space<semaphore_mem>>) {add = true}
        %dma_wait3A_92 = arith.constant 0 : i32
        %dma_wait3A_93 = tpu.memref_slice %arg8[%mul3A_59, %dma_wait3A_92] : memref<40x128xi32, #tpu.memory_space<vmem>> -> memref<1x128xi32, #tpu.memory_space<vmem>>
        %dma_wait3A_94 = tpu.memref_squeeze %dma_wait3A_93 : memref<1x128xi32, #tpu.memory_space<vmem>> -> memref<128xi32, #tpu.memory_space<vmem>>
        %dma_wait3A_95 = arith.constant 0 : i32
        %dma_wait3A_96 = arith.constant 0 : i32
        %dma_wait3A_97 = tpu.memref_slice %arg11[%dma_wait3A_95, %dma_wait3A_96] : memref<10112x128xf32, #tpu.memory_space<vmem_shared>> -> memref<10112x128xf32, #tpu.memory_space<vmem_shared>>
        tpu.wait_indirect_dma semaphore(%run_scoped3A : memref<!tpu.dma_semaphore, #tpu.memory_space<semaphore_mem>>) src(%arg9 : memref<128x128xf32, #tpu.memory_space<vmem>>) dst(%dma_wait3A_97 : memref<10112x128xf32, #tpu.memory_space<vmem_shared>>)
        tpu.yield
      }) : () -> ()
      %add3A = arith.constant 2 : i32
      %add3A_66 = arith.addi %mul3A_59, %add3A : i32
      %lt3A = arith.constant 40 : i32
      %lt3A_67 = arith.cmpi slt, %add3A_66, %lt3A : i32
      %convert_element_type3A = arith.extui %lt3A_67 : i1 to i32
      %cond3A = arith.constant 0 : i32
      %cond3A_68 = arith.cmpi ne, %convert_element_type3A, %cond3A : i32
      scf.if %cond3A_68 {
        %add3A_86 = arith.constant 2 : i32
        %add3A_87 = arith.addi %mul3A_59, %add3A_86 : i32
        %dma_start3A_88 = arith.constant 0 : i32
        %dma_start3A_89 = tpu.memref_slice %arg7[%add3A_87, %dma_start3A_88] : memref<40x128xi32, #tpu.memory_space<vmem>> -> memref<1x128xi32, #tpu.memory_space<vmem>>
        %dma_start3A_90 = tpu.memref_squeeze %dma_start3A_89 : memref<1x128xi32, #tpu.memory_space<vmem>> -> memref<128xi32, #tpu.memory_space<vmem>>
        %dma_start3A_91 = arith.constant 0 : i32
        %dma_start3A_92 = arith.constant 0 : i32
        %dma_start3A_93 = tpu.memref_slice %arg2[%dma_start3A_91, %dma_start3A_92] : memref<10000x128xf32, #tpu.memory_space<hbm>> -> memref<10000x128xf32, #tpu.memory_space<hbm>>
        tpu.enqueue_indirect_dma source(%dma_start3A_93 : memref<10000x128xf32, #tpu.memory_space<hbm>>) target(%arg9 : memref<128x128xf32, #tpu.memory_space<vmem>>) offsets(%dma_start3A_90 : memref<128xi32, #tpu.memory_space<vmem>>) semaphore(%arg12 : memref<!tpu.dma_semaphore, #tpu.memory_space<semaphore_mem>>)
      } else {
      }
      %add3A_69 = arith.constant 1 : i32
      %add3A_70 = arith.addi %mul3A_59, %add3A_69 : i32
      %dma_wait3A_71 = arith.constant 0 : i32
      %dma_wait3A_72 = tpu.memref_slice %arg7[%add3A_70, %dma_wait3A_71] : memref<40x128xi32, #tpu.memory_space<vmem>> -> memref<1x128xi32, #tpu.memory_space<vmem>>
      %dma_wait3A_73 = tpu.memref_squeeze %dma_wait3A_72 : memref<1x128xi32, #tpu.memory_space<vmem>> -> memref<128xi32, #tpu.memory_space<vmem>>
      %dma_wait3A_74 = arith.constant 0 : i32
      %dma_wait3A_75 = arith.constant 0 : i32
      %dma_wait3A_76 = tpu.memref_slice %arg2[%dma_wait3A_74, %dma_wait3A_75] : memref<10000x128xf32, #tpu.memory_space<hbm>> -> memref<10000x128xf32, #tpu.memory_space<hbm>>
      tpu.wait_indirect_dma semaphore(%arg13 : memref<!tpu.dma_semaphore, #tpu.memory_space<semaphore_mem>>) src(%dma_wait3A_76 : memref<10000x128xf32, #tpu.memory_space<hbm>>) dst(%arg10 : memref<128x128xf32, #tpu.memory_space<vmem>>)
      %add3A_77 = arith.constant 1 : i32
      %add3A_78 = arith.addi %mul3A_59, %add3A_77 : i32
      "tpu.region"() ({
        %run_scoped3A = tpu.sem_alloc : memref<!tpu.dma_semaphore, #tpu.memory_space<semaphore_mem>>
        %dma_start3A_86 = arith.constant 0 : i32
        %dma_start3A_87 = tpu.memref_slice %arg8[%add3A_78, %dma_start3A_86] : memref<40x128xi32, #tpu.memory_space<vmem>> -> memref<1x128xi32, #tpu.memory_space<vmem>>
        %dma_start3A_88 = tpu.memref_squeeze %dma_start3A_87 : memref<1x128xi32, #tpu.memory_space<vmem>> -> memref<128xi32, #tpu.memory_space<vmem>>
        %dma_start3A_89 = arith.constant 0 : i32
        %dma_start3A_90 = arith.constant 0 : i32
        %dma_start3A_91 = tpu.memref_slice %arg11[%dma_start3A_89, %dma_start3A_90] : memref<10112x128xf32, #tpu.memory_space<vmem_shared>> -> memref<10112x128xf32, #tpu.memory_space<vmem_shared>>
        tpu.enqueue_indirect_dma source(%arg10 : memref<128x128xf32, #tpu.memory_space<vmem>>) target(%dma_start3A_91 : memref<10112x128xf32, #tpu.memory_space<vmem_shared>>) offsets(%dma_start3A_88 : memref<128xi32, #tpu.memory_space<vmem>>) semaphore(%run_scoped3A : memref<!tpu.dma_semaphore, #tpu.memory_space<semaphore_mem>>) {add = true}
        %dma_wait3A_92 = arith.constant 0 : i32
        %dma_wait3A_93 = tpu.memref_slice %arg8[%add3A_78, %dma_wait3A_92] : memref<40x128xi32, #tpu.memory_space<vmem>> -> memref<1x128xi32, #tpu.memory_space<vmem>>
        %dma_wait3A_94 = tpu.memref_squeeze %dma_wait3A_93 : memref<1x128xi32, #tpu.memory_space<vmem>> -> memref<128xi32, #tpu.memory_space<vmem>>
        %dma_wait3A_95 = arith.constant 0 : i32
        %dma_wait3A_96 = arith.constant 0 : i32
        %dma_wait3A_97 = tpu.memref_slice %arg11[%dma_wait3A_95, %dma_wait3A_96] : memref<10112x128xf32, #tpu.memory_space<vmem_shared>> -> memref<10112x128xf32, #tpu.memory_space<vmem_shared>>
        tpu.wait_indirect_dma semaphore(%run_scoped3A : memref<!tpu.dma_semaphore, #tpu.memory_space<semaphore_mem>>) src(%arg10 : memref<128x128xf32, #tpu.memory_space<vmem>>) dst(%dma_wait3A_97 : memref<10112x128xf32, #tpu.memory_space<vmem_shared>>)
        tpu.yield
      }) : () -> ()
      %add3A_79 = arith.constant 3 : i32
      %add3A_80 = arith.addi %mul3A_59, %add3A_79 : i32
      %lt3A_81 = arith.constant 40 : i32
      %lt3A_82 = arith.cmpi slt, %add3A_80, %lt3A_81 : i32
      %convert_element_type3A_83 = arith.extui %lt3A_82 : i1 to i32
      %cond3A_84 = arith.constant 0 : i32
      %cond3A_85 = arith.cmpi ne, %convert_element_type3A_83, %cond3A_84 : i32
      scf.if %cond3A_85 {
        %add3A_86 = arith.constant 3 : i32
        %add3A_87 = arith.addi %mul3A_59, %add3A_86 : i32
        %dma_start3A_88 = arith.constant 0 : i32
        %dma_start3A_89 = tpu.memref_slice %arg7[%add3A_87, %dma_start3A_88] : memref<40x128xi32, #tpu.memory_space<vmem>> -> memref<1x128xi32, #tpu.memory_space<vmem>>
        %dma_start3A_90 = tpu.memref_squeeze %dma_start3A_89 : memref<1x128xi32, #tpu.memory_space<vmem>> -> memref<128xi32, #tpu.memory_space<vmem>>
        %dma_start3A_91 = arith.constant 0 : i32
        %dma_start3A_92 = arith.constant 0 : i32
        %dma_start3A_93 = tpu.memref_slice %arg2[%dma_start3A_91, %dma_start3A_92] : memref<10000x128xf32, #tpu.memory_space<hbm>> -> memref<10000x128xf32, #tpu.memory_space<hbm>>
        tpu.enqueue_indirect_dma source(%dma_start3A_93 : memref<10000x128xf32, #tpu.memory_space<hbm>>) target(%arg10 : memref<128x128xf32, #tpu.memory_space<vmem>>) offsets(%dma_start3A_90 : memref<128xi32, #tpu.memory_space<vmem>>) semaphore(%arg13 : memref<!tpu.dma_semaphore, #tpu.memory_space<semaphore_mem>>)
      } else {
      }
    }
    %scan3A_31 = arith.constant 20 : i32
    "tpu.region"() ({
      %run_scoped3A = tpu.sem_alloc : memref<!tpu.dma_semaphore, #tpu.memory_space<semaphore_mem>>
      %dma_start3A_57 = arith.constant 40 : i32
      %dma_start3A_58 = arith.constant 0 : i32
      %dma_start3A_59 = tpu.memref_slice %arg3[%arg0, %arg1, %dma_start3A_57, %dma_start3A_58] : memref<2x16x80x128xi32, #tpu.memory_space<hbm>> -> memref<1x1x40x128xi32, #tpu.memory_space<hbm>>
      %dma_start3A_60 = tpu.memref_squeeze %dma_start3A_59 : memref<1x1x40x128xi32, #tpu.memory_space<hbm>> -> memref<40x128xi32, #tpu.memory_space<hbm>>
      %dma_start3A_61 = arith.constant 40 : i32
      %dma_start3A_62 = arith.constant 0 : i32
      %dma_start3A_63 = tpu.memref_slice %arg3[%arg0, %arg1, %dma_start3A_61, %dma_start3A_62] : memref<2x16x80x128xi32, #tpu.memory_space<hbm>> -> memref<1x1x40x128xi32, #tpu.memory_space<hbm>>
      %dma_start3A_64 = tpu.memref_squeeze %dma_start3A_63 : memref<1x1x40x128xi32, #tpu.memory_space<hbm>> -> memref<40x128xi32, #tpu.memory_space<hbm>>
      tpu.enqueue_dma source(%dma_start3A_64 : memref<40x128xi32, #tpu.memory_space<hbm>>) target(%arg7 : memref<40x128xi32, #tpu.memory_space<vmem>>) target_semaphore(%run_scoped3A : memref<!tpu.dma_semaphore, #tpu.memory_space<semaphore_mem>>)
      %dma_wait3A_65 = arith.constant 40 : i32
      %dma_wait3A_66 = arith.constant 0 : i32
      %dma_wait3A_67 = tpu.memref_slice %arg3[%arg0, %arg1, %dma_wait3A_65, %dma_wait3A_66] : memref<2x16x80x128xi32, #tpu.memory_space<hbm>> -> memref<1x1x40x128xi32, #tpu.memory_space<hbm>>
      %dma_wait3A_68 = tpu.memref_squeeze %dma_wait3A_67 : memref<1x1x40x128xi32, #tpu.memory_space<hbm>> -> memref<40x128xi32, #tpu.memory_space<hbm>>
      %dma_wait3A_69 = arith.constant 40 : i32
      %dma_wait3A_70 = arith.constant 0 : i32
      %dma_wait3A_71 = tpu.memref_slice %arg3[%arg0, %arg1, %dma_wait3A_69, %dma_wait3A_70] : memref<2x16x80x128xi32, #tpu.memory_space<hbm>> -> memref<1x1x40x128xi32, #tpu.memory_space<hbm>>
      %dma_wait3A_72 = tpu.memref_squeeze %dma_wait3A_71 : memref<1x1x40x128xi32, #tpu.memory_space<hbm>> -> memref<40x128xi32, #tpu.memory_space<hbm>>
      tpu.wait_dma2 semaphore(%run_scoped3A : memref<!tpu.dma_semaphore, #tpu.memory_space<semaphore_mem>>) src(%dma_wait3A_72 : memref<40x128xi32, #tpu.memory_space<hbm>>) dst(%arg7 : memref<40x128xi32, #tpu.memory_space<vmem>>)
      tpu.yield
    }) : () -> ()
    "tpu.region"() ({
      %run_scoped3A = tpu.sem_alloc : memref<!tpu.dma_semaphore, #tpu.memory_space<semaphore_mem>>
      %dma_start3A_57 = arith.constant 40 : i32
      %dma_start3A_58 = arith.constant 0 : i32
      %dma_start3A_59 = tpu.memref_slice %arg4[%arg0, %arg1, %dma_start3A_57, %dma_start3A_58] : memref<2x16x80x128xi32, #tpu.memory_space<hbm>> -> memref<1x1x40x128xi32, #tpu.memory_space<hbm>>
      %dma_start3A_60 = tpu.memref_squeeze %dma_start3A_59 : memref<1x1x40x128xi32, #tpu.memory_space<hbm>> -> memref<40x128xi32, #tpu.memory_space<hbm>>
      %dma_start3A_61 = arith.constant 40 : i32
      %dma_start3A_62 = arith.constant 0 : i32
      %dma_start3A_63 = tpu.memref_slice %arg4[%arg0, %arg1, %dma_start3A_61, %dma_start3A_62] : memref<2x16x80x128xi32, #tpu.memory_space<hbm>> -> memref<1x1x40x128xi32, #tpu.memory_space<hbm>>
      %dma_start3A_64 = tpu.memref_squeeze %dma_start3A_63 : memref<1x1x40x128xi32, #tpu.memory_space<hbm>> -> memref<40x128xi32, #tpu.memory_space<hbm>>
      tpu.enqueue_dma source(%dma_start3A_64 : memref<40x128xi32, #tpu.memory_space<hbm>>) target(%arg8 : memref<40x128xi32, #tpu.memory_space<vmem>>) target_semaphore(%run_scoped3A : memref<!tpu.dma_semaphore, #tpu.memory_space<semaphore_mem>>)
      %dma_wait3A_65 = arith.constant 40 : i32
      %dma_wait3A_66 = arith.constant 0 : i32
      %dma_wait3A_67 = tpu.memref_slice %arg4[%arg0, %arg1, %dma_wait3A_65, %dma_wait3A_66] : memref<2x16x80x128xi32, #tpu.memory_space<hbm>> -> memref<1x1x40x128xi32, #tpu.memory_space<hbm>>
      %dma_wait3A_68 = tpu.memref_squeeze %dma_wait3A_67 : memref<1x1x40x128xi32, #tpu.memory_space<hbm>> -> memref<40x128xi32, #tpu.memory_space<hbm>>
      %dma_wait3A_69 = arith.constant 40 : i32
      %dma_wait3A_70 = arith.constant 0 : i32
      %dma_wait3A_71 = tpu.memref_slice %arg4[%arg0, %arg1, %dma_wait3A_69, %dma_wait3A_70] : memref<2x16x80x128xi32, #tpu.memory_space<hbm>> -> memref<1x1x40x128xi32, #tpu.memory_space<hbm>>
      %dma_wait3A_72 = tpu.memref_squeeze %dma_wait3A_71 : memref<1x1x40x128xi32, #tpu.memory_space<hbm>> -> memref<40x128xi32, #tpu.memory_space<hbm>>
      tpu.wait_dma2 semaphore(%run_scoped3A : memref<!tpu.dma_semaphore, #tpu.memory_space<semaphore_mem>>) src(%dma_wait3A_72 : memref<40x128xi32, #tpu.memory_space<hbm>>) dst(%arg8 : memref<40x128xi32, #tpu.memory_space<vmem>>)
      tpu.yield
    }) : () -> ()
    %dma_start3A_32 = arith.constant 0 : i32
    %dma_start3A_33 = arith.constant 0 : i32
    %dma_start3A_34 = tpu.memref_slice %arg7[%dma_start3A_32, %dma_start3A_33] : memref<40x128xi32, #tpu.memory_space<vmem>> -> memref<1x128xi32, #tpu.memory_space<vmem>>
    %dma_start3A_35 = tpu.memref_squeeze %dma_start3A_34 : memref<1x128xi32, #tpu.memory_space<vmem>> -> memref<128xi32, #tpu.memory_space<vmem>>
    %dma_start3A_36 = arith.constant 0 : i32
    %dma_start3A_37 = arith.constant 0 : i32
    %dma_start3A_38 = tpu.memref_slice %arg2[%dma_start3A_36, %dma_start3A_37] : memref<10000x128xf32, #tpu.memory_space<hbm>> -> memref<10000x128xf32, #tpu.memory_space<hbm>>
    tpu.enqueue_indirect_dma source(%dma_start3A_38 : memref<10000x128xf32, #tpu.memory_space<hbm>>) target(%arg9 : memref<128x128xf32, #tpu.memory_space<vmem>>) offsets(%dma_start3A_35 : memref<128xi32, #tpu.memory_space<vmem>>) semaphore(%arg12 : memref<!tpu.dma_semaphore, #tpu.memory_space<semaphore_mem>>)
    %dma_start3A_39 = arith.constant 1 : i32
    %dma_start3A_40 = arith.constant 0 : i32
    %dma_start3A_41 = tpu.memref_slice %arg7[%dma_start3A_39, %dma_start3A_40] : memref<40x128xi32, #tpu.memory_space<vmem>> -> memref<1x128xi32, #tpu.memory_space<vmem>>
    %dma_start3A_42 = tpu.memref_squeeze %dma_start3A_41 : memref<1x128xi32, #tpu.memory_space<vmem>> -> memref<128xi32, #tpu.memory_space<vmem>>
    %dma_start3A_43 = arith.constant 0 : i32
    %dma_start3A_44 = arith.constant 0 : i32
    %dma_start3A_45 = tpu.memref_slice %arg2[%dma_start3A_43, %dma_start3A_44] : memref<10000x128xf32, #tpu.memory_space<hbm>> -> memref<10000x128xf32, #tpu.memory_space<hbm>>
    tpu.enqueue_indirect_dma source(%dma_start3A_45 : memref<10000x128xf32, #tpu.memory_space<hbm>>) target(%arg10 : memref<128x128xf32, #tpu.memory_space<vmem>>) offsets(%dma_start3A_42 : memref<128xi32, #tpu.memory_space<vmem>>) semaphore(%arg13 : memref<!tpu.dma_semaphore, #tpu.memory_space<semaphore_mem>>)
    %scan3A_46 = arith.constant 0 : i32
    %scan3A_47 = arith.constant 0 : i32
    %scan3A_48 = arith.constant 20 : i32
    %scan3A_49 = arith.addi %scan3A_47, %scan3A_48 : i32
    %scan3A_50 = arith.constant 1 : i32
    scf.for %scan3A_57 = %scan3A_47 to %scan3A_49 step %scan3A_50  : i32 {
      %mul3A_58 = arith.constant 2 : i32
      %mul3A_59 = arith.muli %scan3A_57, %mul3A_58 : i32
      %dma_wait3A_60 = arith.constant 0 : i32
      %dma_wait3A_61 = tpu.memref_slice %arg7[%mul3A_59, %dma_wait3A_60] : memref<40x128xi32, #tpu.memory_space<vmem>> -> memref<1x128xi32, #tpu.memory_space<vmem>>
      %dma_wait3A_62 = tpu.memref_squeeze %dma_wait3A_61 : memref<1x128xi32, #tpu.memory_space<vmem>> -> memref<128xi32, #tpu.memory_space<vmem>>
      %dma_wait3A_63 = arith.constant 0 : i32
      %dma_wait3A_64 = arith.constant 0 : i32
      %dma_wait3A_65 = tpu.memref_slice %arg2[%dma_wait3A_63, %dma_wait3A_64] : memref<10000x128xf32, #tpu.memory_space<hbm>> -> memref<10000x128xf32, #tpu.memory_space<hbm>>
      tpu.wait_indirect_dma semaphore(%arg12 : memref<!tpu.dma_semaphore, #tpu.memory_space<semaphore_mem>>) src(%dma_wait3A_65 : memref<10000x128xf32, #tpu.memory_space<hbm>>) dst(%arg9 : memref<128x128xf32, #tpu.memory_space<vmem>>)
      "tpu.region"() ({
        %run_scoped3A = tpu.sem_alloc : memref<!tpu.dma_semaphore, #tpu.memory_space<semaphore_mem>>
        %dma_start3A_86 = arith.constant 0 : i32
        %dma_start3A_87 = tpu.memref_slice %arg8[%mul3A_59, %dma_start3A_86] : memref<40x128xi32, #tpu.memory_space<vmem>> -> memref<1x128xi32, #tpu.memory_space<vmem>>
        %dma_start3A_88 = tpu.memref_squeeze %dma_start3A_87 : memref<1x128xi32, #tpu.memory_space<vmem>> -> memref<128xi32, #tpu.memory_space<vmem>>
        %dma_start3A_89 = arith.constant 0 : i32
        %dma_start3A_90 = arith.constant 0 : i32
        %dma_start3A_91 = tpu.memref_slice %arg11[%dma_start3A_89, %dma_start3A_90] : memref<10112x128xf32, #tpu.memory_space<vmem_shared>> -> memref<10112x128xf32, #tpu.memory_space<vmem_shared>>
        tpu.enqueue_indirect_dma source(%arg9 : memref<128x128xf32, #tpu.memory_space<vmem>>) target(%dma_start3A_91 : memref<10112x128xf32, #tpu.memory_space<vmem_shared>>) offsets(%dma_start3A_88 : memref<128xi32, #tpu.memory_space<vmem>>) semaphore(%run_scoped3A : memref<!tpu.dma_semaphore, #tpu.memory_space<semaphore_mem>>) {add = true}
        %dma_wait3A_92 = arith.constant 0 : i32
        %dma_wait3A_93 = tpu.memref_slice %arg8[%mul3A_59, %dma_wait3A_92] : memref<40x128xi32, #tpu.memory_space<vmem>> -> memref<1x128xi32, #tpu.memory_space<vmem>>
        %dma_wait3A_94 = tpu.memref_squeeze %dma_wait3A_93 : memref<1x128xi32, #tpu.memory_space<vmem>> -> memref<128xi32, #tpu.memory_space<vmem>>
        %dma_wait3A_95 = arith.constant 0 : i32
        %dma_wait3A_96 = arith.constant 0 : i32
        %dma_wait3A_97 = tpu.memref_slice %arg11[%dma_wait3A_95, %dma_wait3A_96] : memref<10112x128xf32, #tpu.memory_space<vmem_shared>> -> memref<10112x128xf32, #tpu.memory_space<vmem_shared>>
        tpu.wait_indirect_dma semaphore(%run_scoped3A : memref<!tpu.dma_semaphore, #tpu.memory_space<semaphore_mem>>) src(%arg9 : memref<128x128xf32, #tpu.memory_space<vmem>>) dst(%dma_wait3A_97 : memref<10112x128xf32, #tpu.memory_space<vmem_shared>>)
        tpu.yield
      }) : () -> ()
      %add3A = arith.constant 2 : i32
      %add3A_66 = arith.addi %mul3A_59, %add3A : i32
      %lt3A = arith.constant 40 : i32
      %lt3A_67 = arith.cmpi slt, %add3A_66, %lt3A : i32
      %convert_element_type3A = arith.extui %lt3A_67 : i1 to i32
      %cond3A = arith.constant 0 : i32
      %cond3A_68 = arith.cmpi ne, %convert_element_type3A, %cond3A : i32
      scf.if %cond3A_68 {
        %add3A_86 = arith.constant 2 : i32
        %add3A_87 = arith.addi %mul3A_59, %add3A_86 : i32
        %dma_start3A_88 = arith.constant 0 : i32
        %dma_start3A_89 = tpu.memref_slice %arg7[%add3A_87, %dma_start3A_88] : memref<40x128xi32, #tpu.memory_space<vmem>> -> memref<1x128xi32, #tpu.memory_space<vmem>>
        %dma_start3A_90 = tpu.memref_squeeze %dma_start3A_89 : memref<1x128xi32, #tpu.memory_space<vmem>> -> memref<128xi32, #tpu.memory_space<vmem>>
        %dma_start3A_91 = arith.constant 0 : i32
        %dma_start3A_92 = arith.constant 0 : i32
        %dma_start3A_93 = tpu.memref_slice %arg2[%dma_start3A_91, %dma_start3A_92] : memref<10000x128xf32, #tpu.memory_space<hbm>> -> memref<10000x128xf32, #tpu.memory_space<hbm>>
        tpu.enqueue_indirect_dma source(%dma_start3A_93 : memref<10000x128xf32, #tpu.memory_space<hbm>>) target(%arg9 : memref<128x128xf32, #tpu.memory_space<vmem>>) offsets(%dma_start3A_90 : memref<128xi32, #tpu.memory_space<vmem>>) semaphore(%arg12 : memref<!tpu.dma_semaphore, #tpu.memory_space<semaphore_mem>>)
      } else {
      }
      %add3A_69 = arith.constant 1 : i32
      %add3A_70 = arith.addi %mul3A_59, %add3A_69 : i32
      %dma_wait3A_71 = arith.constant 0 : i32
      %dma_wait3A_72 = tpu.memref_slice %arg7[%add3A_70, %dma_wait3A_71] : memref<40x128xi32, #tpu.memory_space<vmem>> -> memref<1x128xi32, #tpu.memory_space<vmem>>
      %dma_wait3A_73 = tpu.memref_squeeze %dma_wait3A_72 : memref<1x128xi32, #tpu.memory_space<vmem>> -> memref<128xi32, #tpu.memory_space<vmem>>
      %dma_wait3A_74 = arith.constant 0 : i32
      %dma_wait3A_75 = arith.constant 0 : i32
      %dma_wait3A_76 = tpu.memref_slice %arg2[%dma_wait3A_74, %dma_wait3A_75] : memref<10000x128xf32, #tpu.memory_space<hbm>> -> memref<10000x128xf32, #tpu.memory_space<hbm>>
      tpu.wait_indirect_dma semaphore(%arg13 : memref<!tpu.dma_semaphore, #tpu.memory_space<semaphore_mem>>) src(%dma_wait3A_76 : memref<10000x128xf32, #tpu.memory_space<hbm>>) dst(%arg10 : memref<128x128xf32, #tpu.memory_space<vmem>>)
      %add3A_77 = arith.constant 1 : i32
      %add3A_78 = arith.addi %mul3A_59, %add3A_77 : i32
      "tpu.region"() ({
        %run_scoped3A = tpu.sem_alloc : memref<!tpu.dma_semaphore, #tpu.memory_space<semaphore_mem>>
        %dma_start3A_86 = arith.constant 0 : i32
        %dma_start3A_87 = tpu.memref_slice %arg8[%add3A_78, %dma_start3A_86] : memref<40x128xi32, #tpu.memory_space<vmem>> -> memref<1x128xi32, #tpu.memory_space<vmem>>
        %dma_start3A_88 = tpu.memref_squeeze %dma_start3A_87 : memref<1x128xi32, #tpu.memory_space<vmem>> -> memref<128xi32, #tpu.memory_space<vmem>>
        %dma_start3A_89 = arith.constant 0 : i32
        %dma_start3A_90 = arith.constant 0 : i32
        %dma_start3A_91 = tpu.memref_slice %arg11[%dma_start3A_89, %dma_start3A_90] : memref<10112x128xf32, #tpu.memory_space<vmem_shared>> -> memref<10112x128xf32, #tpu.memory_space<vmem_shared>>
        tpu.enqueue_indirect_dma source(%arg10 : memref<128x128xf32, #tpu.memory_space<vmem>>) target(%dma_start3A_91 : memref<10112x128xf32, #tpu.memory_space<vmem_shared>>) offsets(%dma_start3A_88 : memref<128xi32, #tpu.memory_space<vmem>>) semaphore(%run_scoped3A : memref<!tpu.dma_semaphore, #tpu.memory_space<semaphore_mem>>) {add = true}
        %dma_wait3A_92 = arith.constant 0 : i32
        %dma_wait3A_93 = tpu.memref_slice %arg8[%add3A_78, %dma_wait3A_92] : memref<40x128xi32, #tpu.memory_space<vmem>> -> memref<1x128xi32, #tpu.memory_space<vmem>>
        %dma_wait3A_94 = tpu.memref_squeeze %dma_wait3A_93 : memref<1x128xi32, #tpu.memory_space<vmem>> -> memref<128xi32, #tpu.memory_space<vmem>>
        %dma_wait3A_95 = arith.constant 0 : i32
        %dma_wait3A_96 = arith.constant 0 : i32
        %dma_wait3A_97 = tpu.memref_slice %arg11[%dma_wait3A_95, %dma_wait3A_96] : memref<10112x128xf32, #tpu.memory_space<vmem_shared>> -> memref<10112x128xf32, #tpu.memory_space<vmem_shared>>
        tpu.wait_indirect_dma semaphore(%run_scoped3A : memref<!tpu.dma_semaphore, #tpu.memory_space<semaphore_mem>>) src(%arg10 : memref<128x128xf32, #tpu.memory_space<vmem>>) dst(%dma_wait3A_97 : memref<10112x128xf32, #tpu.memory_space<vmem_shared>>)
        tpu.yield
      }) : () -> ()
      %add3A_79 = arith.constant 3 : i32
      %add3A_80 = arith.addi %mul3A_59, %add3A_79 : i32
      %lt3A_81 = arith.constant 40 : i32
      %lt3A_82 = arith.cmpi slt, %add3A_80, %lt3A_81 : i32
      %convert_element_type3A_83 = arith.extui %lt3A_82 : i1 to i32
      %cond3A_84 = arith.constant 0 : i32
      %cond3A_85 = arith.cmpi ne, %convert_element_type3A_83, %cond3A_84 : i32
      scf.if %cond3A_85 {
        %add3A_86 = arith.constant 3 : i32
        %add3A_87 = arith.addi %mul3A_59, %add3A_86 : i32
        %dma_start3A_88 = arith.constant 0 : i32
        %dma_start3A_89 = tpu.memref_slice %arg7[%add3A_87, %dma_start3A_88] : memref<40x128xi32, #tpu.memory_space<vmem>> -> memref<1x128xi32, #tpu.memory_space<vmem>>
        %dma_start3A_90 = tpu.memref_squeeze %dma_start3A_89 : memref<1x128xi32, #tpu.memory_space<vmem>> -> memref<128xi32, #tpu.memory_space<vmem>>
        %dma_start3A_91 = arith.constant 0 : i32
        %dma_start3A_92 = arith.constant 0 : i32
        %dma_start3A_93 = tpu.memref_slice %arg2[%dma_start3A_91, %dma_start3A_92] : memref<10000x128xf32, #tpu.memory_space<hbm>> -> memref<10000x128xf32, #tpu.memory_space<hbm>>
        tpu.enqueue_indirect_dma source(%dma_start3A_93 : memref<10000x128xf32, #tpu.memory_space<hbm>>) target(%arg10 : memref<128x128xf32, #tpu.memory_space<vmem>>) offsets(%dma_start3A_90 : memref<128xi32, #tpu.memory_space<vmem>>) semaphore(%arg13 : memref<!tpu.dma_semaphore, #tpu.memory_space<semaphore_mem>>)
      } else {
      }
    }
    %scan3A_51 = arith.constant 20 : i32
    %barrier3A_52 = arith.constant 0 : index
    tpu.barrier barrier_id(%barrier3A_52)
    %mul3A_53 = arith.constant 632 : i32
    %mul3A_54 = arith.muli %arg1, %mul3A_53 : i32
    %mul3A_55 = arith.constant 632 : i32
    %mul3A_56 = arith.muli %arg1, %mul3A_55 : i32
    "tpu.region"() ({
      %run_scoped3A = tpu.sem_alloc : memref<!tpu.dma_semaphore, #tpu.memory_space<semaphore_mem>>
      %dma_start3A_57 = arith.constant 0 : i32
      %dma_start3A_58 = tpu.memref_slice %arg6[%arg0, %mul3A_56, %dma_start3A_57] : memref<2x10112x128xf32, #tpu.memory_space<hbm>> -> memref<1x632x128xf32, #tpu.memory_space<hbm>>
      %dma_start3A_59 = tpu.memref_squeeze %dma_start3A_58 : memref<1x632x128xf32, #tpu.memory_space<hbm>> -> memref<632x128xf32, #tpu.memory_space<hbm>>
      %dma_start3A_60 = arith.constant 0 : i32
      %dma_start3A_61 = tpu.memref_slice %arg11[%mul3A_54, %dma_start3A_60] : memref<10112x128xf32, #tpu.memory_space<vmem_shared>> -> memref<632x128xf32, #tpu.memory_space<vmem_shared>>
      tpu.enqueue_dma source(%dma_start3A_61 : memref<632x128xf32, #tpu.memory_space<vmem_shared>>) target(%dma_start3A_59 : memref<632x128xf32, #tpu.memory_space<hbm>>) target_semaphore(%run_scoped3A : memref<!tpu.dma_semaphore, #tpu.memory_space<semaphore_mem>>)
      %dma_wait3A_62 = arith.constant 0 : i32
      %dma_wait3A_63 = tpu.memref_slice %arg6[%arg0, %mul3A_56, %dma_wait3A_62] : memref<2x10112x128xf32, #tpu.memory_space<hbm>> -> memref<1x632x128xf32, #tpu.memory_space<hbm>>
      %dma_wait3A_64 = tpu.memref_squeeze %dma_wait3A_63 : memref<1x632x128xf32, #tpu.memory_space<hbm>> -> memref<632x128xf32, #tpu.memory_space<hbm>>
      %dma_wait3A_65 = arith.constant 0 : i32
      %dma_wait3A_66 = tpu.memref_slice %arg11[%mul3A_54, %dma_wait3A_65] : memref<10112x128xf32, #tpu.memory_space<vmem_shared>> -> memref<632x128xf32, #tpu.memory_space<vmem_shared>>
      tpu.wait_dma2 semaphore(%run_scoped3A : memref<!tpu.dma_semaphore, #tpu.memory_space<semaphore_mem>>) src(%dma_wait3A_66 : memref<632x128xf32, #tpu.memory_space<vmem_shared>>) dst(%dma_wait3A_64 : memref<632x128xf32, #tpu.memory_space<hbm>>)
      tpu.yield
    }) : () -> ()
    return
  }
}

#map = affine_map<(d0, d1) -> (0, 0)>
#map1 = affine_map<(d0, d1) -> (0, 0, 0, 0)>
#map2 = affine_map<(d0, d1) -> (0, 0, 0)>
module attributes {stable_mosaic.version = 14 : i64} {
  func.func @_sc_body(%arg0: i32, %arg1: i32, %arg2: memref<10000x128xf32, #tpu.memory_space<hbm>>, %arg3: memref<2x16x80x128xi32, #tpu.memory_space<hbm>>, %arg4: memref<2x16x80x128xi32, #tpu.memory_space<hbm>>, %arg5: memref<10112x128xf32, #tpu.memory_space<hbm>>, %arg6: memref<2x10112x128xf32, #tpu.memory_space<hbm>>, %arg7: memref<40x128xi32, #tpu.memory_space<vmem>>, %arg8: memref<40x128xi32, #tpu.memory_space<vmem>>, %arg9: memref<128x128xf32, #tpu.memory_space<vmem>>, %arg10: memref<128x128xf32, #tpu.memory_space<vmem>>, %arg11: memref<10112x128xf32, #tpu.memory_space<vmem_shared>>, %arg12: memref<!tpu.dma_semaphore, #tpu.memory_space<semaphore_mem>>, %arg13: memref<!tpu.dma_semaphore, #tpu.memory_space<semaphore_mem>>, %arg14: memref<!tpu.dma_semaphore, #tpu.memory_space<semaphore_mem>>) attributes {dimension_semantics = [#tpu.dimension_semantics<core_parallel>, #tpu.dimension_semantics<subcore_parallel>], iteration_bounds = array<i64: 2, 16>, scalar_prefetch = 0 : i64, scratch_operands = 8 : i64, tpu.core_type = #tpu.core_type<sc_vector_subcore>, window_params = [{transform_indices = #map}, {transform_indices = #map1}, {transform_indices = #map1}, {transform_indices = #map}, {transform_indices = #map2}]} {
    %mul3A = arith.constant 632 : i32
    %mul3A_0 = arith.muli %arg1, %mul3A : i32
    %mul3A_1 = arith.constant 632 : i32
    %mul3A_2 = arith.muli %arg1, %mul3A_1 : i32
    %dma_start3A = arith.constant 0 : i32
    %dma_start3A_3 = tpu.memref_slice %arg11[%mul3A_2, %dma_start3A] : memref<10112x128xf32, #tpu.memory_space<vmem_shared>> -> memref<632x128xf32, #tpu.memory_space<vmem_shared>>
    %dma_start3A_4 = arith.constant 0 : i32
    %dma_start3A_5 = tpu.memref_slice %arg5[%mul3A_0, %dma_start3A_4] : memref<10112x128xf32, #tpu.memory_space<hbm>> -> memref<632x128xf32, #tpu.memory_space<hbm>>
    tpu.enqueue_dma source(%dma_start3A_5 : memref<632x128xf32, #tpu.memory_space<hbm>>) target(%dma_start3A_3 : memref<632x128xf32, #tpu.memory_space<vmem_shared>>) target_semaphore(%arg14 : memref<!tpu.dma_semaphore, #tpu.memory_space<semaphore_mem>>)
    "tpu.region"() ({
      %run_scoped3A = tpu.sem_alloc : memref<!tpu.dma_semaphore, #tpu.memory_space<semaphore_mem>>
      %dma_start3A_57 = arith.constant 0 : i32
      %dma_start3A_58 = arith.constant 0 : i32
      %dma_start3A_59 = tpu.memref_slice %arg3[%arg0, %arg1, %dma_start3A_57, %dma_start3A_58] : memref<2x16x80x128xi32, #tpu.memory_space<hbm>> -> memref<1x1x40x128xi32, #tpu.memory_space<hbm>>
      %dma_start3A_60 = tpu.memref_squeeze %dma_start3A_59 : memref<1x1x40x128xi32, #tpu.memory_space<hbm>> -> memref<40x128xi32, #tpu.memory_space<hbm>>
      %dma_start3A_61 = arith.constant 0 : i32
      %dma_start3A_62 = arith.constant 0 : i32
      %dma_start3A_63 = tpu.memref_slice %arg3[%arg0, %arg1, %dma_start3A_61, %dma_start3A_62] : memref<2x16x80x128xi32, #tpu.memory_space<hbm>> -> memref<1x1x40x128xi32, #tpu.memory_space<hbm>>
      %dma_start3A_64 = tpu.memref_squeeze %dma_start3A_63 : memref<1x1x40x128xi32, #tpu.memory_space<hbm>> -> memref<40x128xi32, #tpu.memory_space<hbm>>
      tpu.enqueue_dma source(%dma_start3A_64 : memref<40x128xi32, #tpu.memory_space<hbm>>) target(%arg7 : memref<40x128xi32, #tpu.memory_space<vmem>>) target_semaphore(%run_scoped3A : memref<!tpu.dma_semaphore, #tpu.memory_space<semaphore_mem>>)
      %dma_wait3A_65 = arith.constant 0 : i32
      %dma_wait3A_66 = arith.constant 0 : i32
      %dma_wait3A_67 = tpu.memref_slice %arg3[%arg0, %arg1, %dma_wait3A_65, %dma_wait3A_66] : memref<2x16x80x128xi32, #tpu.memory_space<hbm>> -> memref<1x1x40x128xi32, #tpu.memory_space<hbm>>
      %dma_wait3A_68 = tpu.memref_squeeze %dma_wait3A_67 : memref<1x1x40x128xi32, #tpu.memory_space<hbm>> -> memref<40x128xi32, #tpu.memory_space<hbm>>
      %dma_wait3A_69 = arith.constant 0 : i32
      %dma_wait3A_70 = arith.constant 0 : i32
      %dma_wait3A_71 = tpu.memref_slice %arg3[%arg0, %arg1, %dma_wait3A_69, %dma_wait3A_70] : memref<2x16x80x128xi32, #tpu.memory_space<hbm>> -> memref<1x1x40x128xi32, #tpu.memory_space<hbm>>
      %dma_wait3A_72 = tpu.memref_squeeze %dma_wait3A_71 : memref<1x1x40x128xi32, #tpu.memory_space<hbm>> -> memref<40x128xi32, #tpu.memory_space<hbm>>
      tpu.wait_dma2 semaphore(%run_scoped3A : memref<!tpu.dma_semaphore, #tpu.memory_space<semaphore_mem>>) src(%dma_wait3A_72 : memref<40x128xi32, #tpu.memory_space<hbm>>) dst(%arg7 : memref<40x128xi32, #tpu.memory_space<vmem>>)
      tpu.yield
    }) : () -> ()
    "tpu.region"() ({
      %run_scoped3A = tpu.sem_alloc : memref<!tpu.dma_semaphore, #tpu.memory_space<semaphore_mem>>
      %dma_start3A_57 = arith.constant 0 : i32
      %dma_start3A_58 = arith.constant 0 : i32
      %dma_start3A_59 = tpu.memref_slice %arg4[%arg0, %arg1, %dma_start3A_57, %dma_start3A_58] : memref<2x16x80x128xi32, #tpu.memory_space<hbm>> -> memref<1x1x40x128xi32, #tpu.memory_space<hbm>>
      %dma_start3A_60 = tpu.memref_squeeze %dma_start3A_59 : memref<1x1x40x128xi32, #tpu.memory_space<hbm>> -> memref<40x128xi32, #tpu.memory_space<hbm>>
      %dma_start3A_61 = arith.constant 0 : i32
      %dma_start3A_62 = arith.constant 0 : i32
      %dma_start3A_63 = tpu.memref_slice %arg4[%arg0, %arg1, %dma_start3A_61, %dma_start3A_62] : memref<2x16x80x128xi32, #tpu.memory_space<hbm>> -> memref<1x1x40x128xi32, #tpu.memory_space<hbm>>
      %dma_start3A_64 = tpu.memref_squeeze %dma_start3A_63 : memref<1x1x40x128xi32, #tpu.memory_space<hbm>> -> memref<40x128xi32, #tpu.memory_space<hbm>>
      tpu.enqueue_dma source(%dma_start3A_64 : memref<40x128xi32, #tpu.memory_space<hbm>>) target(%arg8 : memref<40x128xi32, #tpu.memory_space<vmem>>) target_semaphore(%run_scoped3A : memref<!tpu.dma_semaphore, #tpu.memory_space<semaphore_mem>>)
      %dma_wait3A_65 = arith.constant 0 : i32
      %dma_wait3A_66 = arith.constant 0 : i32
      %dma_wait3A_67 = tpu.memref_slice %arg4[%arg0, %arg1, %dma_wait3A_65, %dma_wait3A_66] : memref<2x16x80x128xi32, #tpu.memory_space<hbm>> -> memref<1x1x40x128xi32, #tpu.memory_space<hbm>>
      %dma_wait3A_68 = tpu.memref_squeeze %dma_wait3A_67 : memref<1x1x40x128xi32, #tpu.memory_space<hbm>> -> memref<40x128xi32, #tpu.memory_space<hbm>>
      %dma_wait3A_69 = arith.constant 0 : i32
      %dma_wait3A_70 = arith.constant 0 : i32
      %dma_wait3A_71 = tpu.memref_slice %arg4[%arg0, %arg1, %dma_wait3A_69, %dma_wait3A_70] : memref<2x16x80x128xi32, #tpu.memory_space<hbm>> -> memref<1x1x40x128xi32, #tpu.memory_space<hbm>>
      %dma_wait3A_72 = tpu.memref_squeeze %dma_wait3A_71 : memref<1x1x40x128xi32, #tpu.memory_space<hbm>> -> memref<40x128xi32, #tpu.memory_space<hbm>>
      tpu.wait_dma2 semaphore(%run_scoped3A : memref<!tpu.dma_semaphore, #tpu.memory_space<semaphore_mem>>) src(%dma_wait3A_72 : memref<40x128xi32, #tpu.memory_space<hbm>>) dst(%arg8 : memref<40x128xi32, #tpu.memory_space<vmem>>)
      tpu.yield
    }) : () -> ()
    %dma_start3A_6 = arith.constant 0 : i32
    %dma_start3A_7 = arith.constant 0 : i32
    %dma_start3A_8 = tpu.memref_slice %arg7[%dma_start3A_6, %dma_start3A_7] : memref<40x128xi32, #tpu.memory_space<vmem>> -> memref<1x128xi32, #tpu.memory_space<vmem>>
    %dma_start3A_9 = tpu.memref_squeeze %dma_start3A_8 : memref<1x128xi32, #tpu.memory_space<vmem>> -> memref<128xi32, #tpu.memory_space<vmem>>
    %dma_start3A_10 = arith.constant 0 : i32
    %dma_start3A_11 = arith.constant 0 : i32
    %dma_start3A_12 = tpu.memref_slice %arg2[%dma_start3A_10, %dma_start3A_11] : memref<10000x128xf32, #tpu.memory_space<hbm>> -> memref<10000x128xf32, #tpu.memory_space<hbm>>
    tpu.enqueue_indirect_dma source(%dma_start3A_12 : memref<10000x128xf32, #tpu.memory_space<hbm>>) target(%arg9 : memref<128x128xf32, #tpu.memory_space<vmem>>) offsets(%dma_start3A_9 : memref<128xi32, #tpu.memory_space<vmem>>) semaphore(%arg12 : memref<!tpu.dma_semaphore, #tpu.memory_space<semaphore_mem>>)
    %dma_start3A_13 = arith.constant 1 : i32
    %dma_start3A_14 = arith.constant 0 : i32
    %dma_start3A_15 = tpu.memref_slice %arg7[%dma_start3A_13, %dma_start3A_14] : memref<40x128xi32, #tpu.memory_space<vmem>> -> memref<1x128xi32, #tpu.memory_space<vmem>>
    %dma_start3A_16 = tpu.memref_squeeze %dma_start3A_15 : memref<1x128xi32, #tpu.memory_space<vmem>> -> memref<128xi32, #tpu.memory_space<vmem>>
    %dma_start3A_17 = arith.constant 0 : i32
    %dma_start3A_18 = arith.constant 0 : i32
    %dma_start3A_19 = tpu.memref_slice %arg2[%dma_start3A_17, %dma_start3A_18] : memref<10000x128xf32, #tpu.memory_space<hbm>> -> memref<10000x128xf32, #tpu.memory_space<hbm>>
    tpu.enqueue_indirect_dma source(%dma_start3A_19 : memref<10000x128xf32, #tpu.memory_space<hbm>>) target(%arg10 : memref<128x128xf32, #tpu.memory_space<vmem>>) offsets(%dma_start3A_16 : memref<128xi32, #tpu.memory_space<vmem>>) semaphore(%arg13 : memref<!tpu.dma_semaphore, #tpu.memory_space<semaphore_mem>>)
    %mul3A_20 = arith.constant 632 : i32
    %mul3A_21 = arith.muli %arg1, %mul3A_20 : i32
    %mul3A_22 = arith.constant 632 : i32
    %mul3A_23 = arith.muli %arg1, %mul3A_22 : i32
    %dma_wait3A = arith.constant 0 : i32
    %dma_wait3A_24 = tpu.memref_slice %arg11[%mul3A_23, %dma_wait3A] : memref<10112x128xf32, #tpu.memory_space<vmem_shared>> -> memref<632x128xf32, #tpu.memory_space<vmem_shared>>
    %dma_wait3A_25 = arith.constant 0 : i32
    %dma_wait3A_26 = tpu.memref_slice %arg5[%mul3A_21, %dma_wait3A_25] : memref<10112x128xf32, #tpu.memory_space<hbm>> -> memref<632x128xf32, #tpu.memory_space<hbm>>
    tpu.wait_dma2 semaphore(%arg14 : memref<!tpu.dma_semaphore, #tpu.memory_space<semaphore_mem>>) src(%dma_wait3A_26 : memref<632x128xf32, #tpu.memory_space<hbm>>) dst(%dma_wait3A_24 : memref<632x128xf32, #tpu.memory_space<vmem_shared>>)
    %barrier3A = arith.constant 0 : index
    tpu.barrier barrier_id(%barrier3A)
    %scan3A = arith.constant 0 : i32
    %scan3A_27 = arith.constant 0 : i32
    %scan3A_28 = arith.constant 20 : i32
    %scan3A_29 = arith.addi %scan3A_27, %scan3A_28 : i32
    %scan3A_30 = arith.constant 1 : i32
    scf.for %scan3A_57 = %scan3A_27 to %scan3A_29 step %scan3A_30  : i32 {
      %mul3A_58 = arith.constant 2 : i32
      %mul3A_59 = arith.muli %scan3A_57, %mul3A_58 : i32
      %dma_wait3A_60 = arith.constant 0 : i32
      %dma_wait3A_61 = tpu.memref_slice %arg7[%mul3A_59, %dma_wait3A_60] : memref<40x128xi32, #tpu.memory_space<vmem>> -> memref<1x128xi32, #tpu.memory_space<vmem>>
      %dma_wait3A_62 = tpu.memref_squeeze %dma_wait3A_61 : memref<1x128xi32, #tpu.memory_space<vmem>> -> memref<128xi32, #tpu.memory_space<vmem>>
      %dma_wait3A_63 = arith.constant 0 : i32
      %dma_wait3A_64 = arith.constant 0 : i32
      %dma_wait3A_65 = tpu.memref_slice %arg2[%dma_wait3A_63, %dma_wait3A_64] : memref<10000x128xf32, #tpu.memory_space<hbm>> -> memref<10000x128xf32, #tpu.memory_space<hbm>>
      tpu.wait_indirect_dma semaphore(%arg12 : memref<!tpu.dma_semaphore, #tpu.memory_space<semaphore_mem>>) src(%dma_wait3A_65 : memref<10000x128xf32, #tpu.memory_space<hbm>>) dst(%arg9 : memref<128x128xf32, #tpu.memory_space<vmem>>)
      "tpu.region"() ({
        %run_scoped3A = tpu.sem_alloc : memref<!tpu.dma_semaphore, #tpu.memory_space<semaphore_mem>>
        %dma_start3A_86 = arith.constant 0 : i32
        %dma_start3A_87 = tpu.memref_slice %arg8[%mul3A_59, %dma_start3A_86] : memref<40x128xi32, #tpu.memory_space<vmem>> -> memref<1x128xi32, #tpu.memory_space<vmem>>
        %dma_start3A_88 = tpu.memref_squeeze %dma_start3A_87 : memref<1x128xi32, #tpu.memory_space<vmem>> -> memref<128xi32, #tpu.memory_space<vmem>>
        %dma_start3A_89 = arith.constant 0 : i32
        %dma_start3A_90 = arith.constant 0 : i32
        %dma_start3A_91 = tpu.memref_slice %arg11[%dma_start3A_89, %dma_start3A_90] : memref<10112x128xf32, #tpu.memory_space<vmem_shared>> -> memref<10112x128xf32, #tpu.memory_space<vmem_shared>>
        tpu.enqueue_indirect_dma source(%arg9 : memref<128x128xf32, #tpu.memory_space<vmem>>) target(%dma_start3A_91 : memref<10112x128xf32, #tpu.memory_space<vmem_shared>>) offsets(%dma_start3A_88 : memref<128xi32, #tpu.memory_space<vmem>>) semaphore(%run_scoped3A : memref<!tpu.dma_semaphore, #tpu.memory_space<semaphore_mem>>) {add = true}
        %dma_wait3A_92 = arith.constant 0 : i32
        %dma_wait3A_93 = tpu.memref_slice %arg8[%mul3A_59, %dma_wait3A_92] : memref<40x128xi32, #tpu.memory_space<vmem>> -> memref<1x128xi32, #tpu.memory_space<vmem>>
        %dma_wait3A_94 = tpu.memref_squeeze %dma_wait3A_93 : memref<1x128xi32, #tpu.memory_space<vmem>> -> memref<128xi32, #tpu.memory_space<vmem>>
        %dma_wait3A_95 = arith.constant 0 : i32
        %dma_wait3A_96 = arith.constant 0 : i32
        %dma_wait3A_97 = tpu.memref_slice %arg11[%dma_wait3A_95, %dma_wait3A_96] : memref<10112x128xf32, #tpu.memory_space<vmem_shared>> -> memref<10112x128xf32, #tpu.memory_space<vmem_shared>>
        tpu.wait_indirect_dma semaphore(%run_scoped3A : memref<!tpu.dma_semaphore, #tpu.memory_space<semaphore_mem>>) src(%arg9 : memref<128x128xf32, #tpu.memory_space<vmem>>) dst(%dma_wait3A_97 : memref<10112x128xf32, #tpu.memory_space<vmem_shared>>)
        tpu.yield
      }) : () -> ()
      %add3A = arith.constant 2 : i32
      %add3A_66 = arith.addi %mul3A_59, %add3A : i32
      %lt3A = arith.constant 40 : i32
      %lt3A_67 = arith.cmpi slt, %add3A_66, %lt3A : i32
      %convert_element_type3A = arith.extui %lt3A_67 : i1 to i32
      %cond3A = arith.constant 0 : i32
      %cond3A_68 = arith.cmpi ne, %convert_element_type3A, %cond3A : i32
      scf.if %cond3A_68 {
        %add3A_86 = arith.constant 2 : i32
        %add3A_87 = arith.addi %mul3A_59, %add3A_86 : i32
        %dma_start3A_88 = arith.constant 0 : i32
        %dma_start3A_89 = tpu.memref_slice %arg7[%add3A_87, %dma_start3A_88] : memref<40x128xi32, #tpu.memory_space<vmem>> -> memref<1x128xi32, #tpu.memory_space<vmem>>
        %dma_start3A_90 = tpu.memref_squeeze %dma_start3A_89 : memref<1x128xi32, #tpu.memory_space<vmem>> -> memref<128xi32, #tpu.memory_space<vmem>>
        %dma_start3A_91 = arith.constant 0 : i32
        %dma_start3A_92 = arith.constant 0 : i32
        %dma_start3A_93 = tpu.memref_slice %arg2[%dma_start3A_91, %dma_start3A_92] : memref<10000x128xf32, #tpu.memory_space<hbm>> -> memref<10000x128xf32, #tpu.memory_space<hbm>>
        tpu.enqueue_indirect_dma source(%dma_start3A_93 : memref<10000x128xf32, #tpu.memory_space<hbm>>) target(%arg9 : memref<128x128xf32, #tpu.memory_space<vmem>>) offsets(%dma_start3A_90 : memref<128xi32, #tpu.memory_space<vmem>>) semaphore(%arg12 : memref<!tpu.dma_semaphore, #tpu.memory_space<semaphore_mem>>)
      } else {
      }
      %add3A_69 = arith.constant 1 : i32
      %add3A_70 = arith.addi %mul3A_59, %add3A_69 : i32
      %dma_wait3A_71 = arith.constant 0 : i32
      %dma_wait3A_72 = tpu.memref_slice %arg7[%add3A_70, %dma_wait3A_71] : memref<40x128xi32, #tpu.memory_space<vmem>> -> memref<1x128xi32, #tpu.memory_space<vmem>>
      %dma_wait3A_73 = tpu.memref_squeeze %dma_wait3A_72 : memref<1x128xi32, #tpu.memory_space<vmem>> -> memref<128xi32, #tpu.memory_space<vmem>>
      %dma_wait3A_74 = arith.constant 0 : i32
      %dma_wait3A_75 = arith.constant 0 : i32
      %dma_wait3A_76 = tpu.memref_slice %arg2[%dma_wait3A_74, %dma_wait3A_75] : memref<10000x128xf32, #tpu.memory_space<hbm>> -> memref<10000x128xf32, #tpu.memory_space<hbm>>
      tpu.wait_indirect_dma semaphore(%arg13 : memref<!tpu.dma_semaphore, #tpu.memory_space<semaphore_mem>>) src(%dma_wait3A_76 : memref<10000x128xf32, #tpu.memory_space<hbm>>) dst(%arg10 : memref<128x128xf32, #tpu.memory_space<vmem>>)
      %add3A_77 = arith.constant 1 : i32
      %add3A_78 = arith.addi %mul3A_59, %add3A_77 : i32
      "tpu.region"() ({
        %run_scoped3A = tpu.sem_alloc : memref<!tpu.dma_semaphore, #tpu.memory_space<semaphore_mem>>
        %dma_start3A_86 = arith.constant 0 : i32
        %dma_start3A_87 = tpu.memref_slice %arg8[%add3A_78, %dma_start3A_86] : memref<40x128xi32, #tpu.memory_space<vmem>> -> memref<1x128xi32, #tpu.memory_space<vmem>>
        %dma_start3A_88 = tpu.memref_squeeze %dma_start3A_87 : memref<1x128xi32, #tpu.memory_space<vmem>> -> memref<128xi32, #tpu.memory_space<vmem>>
        %dma_start3A_89 = arith.constant 0 : i32
        %dma_start3A_90 = arith.constant 0 : i32
        %dma_start3A_91 = tpu.memref_slice %arg11[%dma_start3A_89, %dma_start3A_90] : memref<10112x128xf32, #tpu.memory_space<vmem_shared>> -> memref<10112x128xf32, #tpu.memory_space<vmem_shared>>
        tpu.enqueue_indirect_dma source(%arg10 : memref<128x128xf32, #tpu.memory_space<vmem>>) target(%dma_start3A_91 : memref<10112x128xf32, #tpu.memory_space<vmem_shared>>) offsets(%dma_start3A_88 : memref<128xi32, #tpu.memory_space<vmem>>) semaphore(%run_scoped3A : memref<!tpu.dma_semaphore, #tpu.memory_space<semaphore_mem>>) {add = true}
        %dma_wait3A_92 = arith.constant 0 : i32
        %dma_wait3A_93 = tpu.memref_slice %arg8[%add3A_78, %dma_wait3A_92] : memref<40x128xi32, #tpu.memory_space<vmem>> -> memref<1x128xi32, #tpu.memory_space<vmem>>
        %dma_wait3A_94 = tpu.memref_squeeze %dma_wait3A_93 : memref<1x128xi32, #tpu.memory_space<vmem>> -> memref<128xi32, #tpu.memory_space<vmem>>
        %dma_wait3A_95 = arith.constant 0 : i32
        %dma_wait3A_96 = arith.constant 0 : i32
        %dma_wait3A_97 = tpu.memref_slice %arg11[%dma_wait3A_95, %dma_wait3A_96] : memref<10112x128xf32, #tpu.memory_space<vmem_shared>> -> memref<10112x128xf32, #tpu.memory_space<vmem_shared>>
        tpu.wait_indirect_dma semaphore(%run_scoped3A : memref<!tpu.dma_semaphore, #tpu.memory_space<semaphore_mem>>) src(%arg10 : memref<128x128xf32, #tpu.memory_space<vmem>>) dst(%dma_wait3A_97 : memref<10112x128xf32, #tpu.memory_space<vmem_shared>>)
        tpu.yield
      }) : () -> ()
      %add3A_79 = arith.constant 3 : i32
      %add3A_80 = arith.addi %mul3A_59, %add3A_79 : i32
      %lt3A_81 = arith.constant 40 : i32
      %lt3A_82 = arith.cmpi slt, %add3A_80, %lt3A_81 : i32
      %convert_element_type3A_83 = arith.extui %lt3A_82 : i1 to i32
      %cond3A_84 = arith.constant 0 : i32
      %cond3A_85 = arith.cmpi ne, %convert_element_type3A_83, %cond3A_84 : i32
      scf.if %cond3A_85 {
        %add3A_86 = arith.constant 3 : i32
        %add3A_87 = arith.addi %mul3A_59, %add3A_86 : i32
        %dma_start3A_88 = arith.constant 0 : i32
        %dma_start3A_89 = tpu.memref_slice %arg7[%add3A_87, %dma_start3A_88] : memref<40x128xi32, #tpu.memory_space<vmem>> -> memref<1x128xi32, #tpu.memory_space<vmem>>
        %dma_start3A_90 = tpu.memref_squeeze %dma_start3A_89 : memref<1x128xi32, #tpu.memory_space<vmem>> -> memref<128xi32, #tpu.memory_space<vmem>>
        %dma_start3A_91 = arith.constant 0 : i32
        %dma_start3A_92 = arith.constant 0 : i32
        %dma_start3A_93 = tpu.memref_slice %arg2[%dma_start3A_91, %dma_start3A_92] : memref<10000x128xf32, #tpu.memory_space<hbm>> -> memref<10000x128xf32, #tpu.memory_space<hbm>>
        tpu.enqueue_indirect_dma source(%dma_start3A_93 : memref<10000x128xf32, #tpu.memory_space<hbm>>) target(%arg10 : memref<128x128xf32, #tpu.memory_space<vmem>>) offsets(%dma_start3A_90 : memref<128xi32, #tpu.memory_space<vmem>>) semaphore(%arg13 : memref<!tpu.dma_semaphore, #tpu.memory_space<semaphore_mem>>)
      } else {
      }
    }
    %scan3A_31 = arith.constant 20 : i32
    "tpu.region"() ({
      %run_scoped3A = tpu.sem_alloc : memref<!tpu.dma_semaphore, #tpu.memory_space<semaphore_mem>>
      %dma_start3A_57 = arith.constant 40 : i32
      %dma_start3A_58 = arith.constant 0 : i32
      %dma_start3A_59 = tpu.memref_slice %arg3[%arg0, %arg1, %dma_start3A_57, %dma_start3A_58] : memref<2x16x80x128xi32, #tpu.memory_space<hbm>> -> memref<1x1x40x128xi32, #tpu.memory_space<hbm>>
      %dma_start3A_60 = tpu.memref_squeeze %dma_start3A_59 : memref<1x1x40x128xi32, #tpu.memory_space<hbm>> -> memref<40x128xi32, #tpu.memory_space<hbm>>
      %dma_start3A_61 = arith.constant 40 : i32
      %dma_start3A_62 = arith.constant 0 : i32
      %dma_start3A_63 = tpu.memref_slice %arg3[%arg0, %arg1, %dma_start3A_61, %dma_start3A_62] : memref<2x16x80x128xi32, #tpu.memory_space<hbm>> -> memref<1x1x40x128xi32, #tpu.memory_space<hbm>>
      %dma_start3A_64 = tpu.memref_squeeze %dma_start3A_63 : memref<1x1x40x128xi32, #tpu.memory_space<hbm>> -> memref<40x128xi32, #tpu.memory_space<hbm>>
      tpu.enqueue_dma source(%dma_start3A_64 : memref<40x128xi32, #tpu.memory_space<hbm>>) target(%arg7 : memref<40x128xi32, #tpu.memory_space<vmem>>) target_semaphore(%run_scoped3A : memref<!tpu.dma_semaphore, #tpu.memory_space<semaphore_mem>>)
      %dma_wait3A_65 = arith.constant 40 : i32
      %dma_wait3A_66 = arith.constant 0 : i32
      %dma_wait3A_67 = tpu.memref_slice %arg3[%arg0, %arg1, %dma_wait3A_65, %dma_wait3A_66] : memref<2x16x80x128xi32, #tpu.memory_space<hbm>> -> memref<1x1x40x128xi32, #tpu.memory_space<hbm>>
      %dma_wait3A_68 = tpu.memref_squeeze %dma_wait3A_67 : memref<1x1x40x128xi32, #tpu.memory_space<hbm>> -> memref<40x128xi32, #tpu.memory_space<hbm>>
      %dma_wait3A_69 = arith.constant 40 : i32
      %dma_wait3A_70 = arith.constant 0 : i32
      %dma_wait3A_71 = tpu.memref_slice %arg3[%arg0, %arg1, %dma_wait3A_69, %dma_wait3A_70] : memref<2x16x80x128xi32, #tpu.memory_space<hbm>> -> memref<1x1x40x128xi32, #tpu.memory_space<hbm>>
      %dma_wait3A_72 = tpu.memref_squeeze %dma_wait3A_71 : memref<1x1x40x128xi32, #tpu.memory_space<hbm>> -> memref<40x128xi32, #tpu.memory_space<hbm>>
      tpu.wait_dma2 semaphore(%run_scoped3A : memref<!tpu.dma_semaphore, #tpu.memory_space<semaphore_mem>>) src(%dma_wait3A_72 : memref<40x128xi32, #tpu.memory_space<hbm>>) dst(%arg7 : memref<40x128xi32, #tpu.memory_space<vmem>>)
      tpu.yield
    }) : () -> ()
    "tpu.region"() ({
      %run_scoped3A = tpu.sem_alloc : memref<!tpu.dma_semaphore, #tpu.memory_space<semaphore_mem>>
      %dma_start3A_57 = arith.constant 40 : i32
      %dma_start3A_58 = arith.constant 0 : i32
      %dma_start3A_59 = tpu.memref_slice %arg4[%arg0, %arg1, %dma_start3A_57, %dma_start3A_58] : memref<2x16x80x128xi32, #tpu.memory_space<hbm>> -> memref<1x1x40x128xi32, #tpu.memory_space<hbm>>
      %dma_start3A_60 = tpu.memref_squeeze %dma_start3A_59 : memref<1x1x40x128xi32, #tpu.memory_space<hbm>> -> memref<40x128xi32, #tpu.memory_space<hbm>>
      %dma_start3A_61 = arith.constant 40 : i32
      %dma_start3A_62 = arith.constant 0 : i32
      %dma_start3A_63 = tpu.memref_slice %arg4[%arg0, %arg1, %dma_start3A_61, %dma_start3A_62] : memref<2x16x80x128xi32, #tpu.memory_space<hbm>> -> memref<1x1x40x128xi32, #tpu.memory_space<hbm>>
      %dma_start3A_64 = tpu.memref_squeeze %dma_start3A_63 : memref<1x1x40x128xi32, #tpu.memory_space<hbm>> -> memref<40x128xi32, #tpu.memory_space<hbm>>
      tpu.enqueue_dma source(%dma_start3A_64 : memref<40x128xi32, #tpu.memory_space<hbm>>) target(%arg8 : memref<40x128xi32, #tpu.memory_space<vmem>>) target_semaphore(%run_scoped3A : memref<!tpu.dma_semaphore, #tpu.memory_space<semaphore_mem>>)
      %dma_wait3A_65 = arith.constant 40 : i32
      %dma_wait3A_66 = arith.constant 0 : i32
      %dma_wait3A_67 = tpu.memref_slice %arg4[%arg0, %arg1, %dma_wait3A_65, %dma_wait3A_66] : memref<2x16x80x128xi32, #tpu.memory_space<hbm>> -> memref<1x1x40x128xi32, #tpu.memory_space<hbm>>
      %dma_wait3A_68 = tpu.memref_squeeze %dma_wait3A_67 : memref<1x1x40x128xi32, #tpu.memory_space<hbm>> -> memref<40x128xi32, #tpu.memory_space<hbm>>
      %dma_wait3A_69 = arith.constant 40 : i32
      %dma_wait3A_70 = arith.constant 0 : i32
      %dma_wait3A_71 = tpu.memref_slice %arg4[%arg0, %arg1, %dma_wait3A_69, %dma_wait3A_70] : memref<2x16x80x128xi32, #tpu.memory_space<hbm>> -> memref<1x1x40x128xi32, #tpu.memory_space<hbm>>
      %dma_wait3A_72 = tpu.memref_squeeze %dma_wait3A_71 : memref<1x1x40x128xi32, #tpu.memory_space<hbm>> -> memref<40x128xi32, #tpu.memory_space<hbm>>
      tpu.wait_dma2 semaphore(%run_scoped3A : memref<!tpu.dma_semaphore, #tpu.memory_space<semaphore_mem>>) src(%dma_wait3A_72 : memref<40x128xi32, #tpu.memory_space<hbm>>) dst(%arg8 : memref<40x128xi32, #tpu.memory_space<vmem>>)
      tpu.yield
    }) : () -> ()
    %dma_start3A_32 = arith.constant 0 : i32
    %dma_start3A_33 = arith.constant 0 : i32
    %dma_start3A_34 = tpu.memref_slice %arg7[%dma_start3A_32, %dma_start3A_33] : memref<40x128xi32, #tpu.memory_space<vmem>> -> memref<1x128xi32, #tpu.memory_space<vmem>>
    %dma_start3A_35 = tpu.memref_squeeze %dma_start3A_34 : memref<1x128xi32, #tpu.memory_space<vmem>> -> memref<128xi32, #tpu.memory_space<vmem>>
    %dma_start3A_36 = arith.constant 0 : i32
    %dma_start3A_37 = arith.constant 0 : i32
    %dma_start3A_38 = tpu.memref_slice %arg2[%dma_start3A_36, %dma_start3A_37] : memref<10000x128xf32, #tpu.memory_space<hbm>> -> memref<10000x128xf32, #tpu.memory_space<hbm>>
    tpu.enqueue_indirect_dma source(%dma_start3A_38 : memref<10000x128xf32, #tpu.memory_space<hbm>>) target(%arg9 : memref<128x128xf32, #tpu.memory_space<vmem>>) offsets(%dma_start3A_35 : memref<128xi32, #tpu.memory_space<vmem>>) semaphore(%arg12 : memref<!tpu.dma_semaphore, #tpu.memory_space<semaphore_mem>>)
    %dma_start3A_39 = arith.constant 1 : i32
    %dma_start3A_40 = arith.constant 0 : i32
    %dma_start3A_41 = tpu.memref_slice %arg7[%dma_start3A_39, %dma_start3A_40] : memref<40x128xi32, #tpu.memory_space<vmem>> -> memref<1x128xi32, #tpu.memory_space<vmem>>
    %dma_start3A_42 = tpu.memref_squeeze %dma_start3A_41 : memref<1x128xi32, #tpu.memory_space<vmem>> -> memref<128xi32, #tpu.memory_space<vmem>>
    %dma_start3A_43 = arith.constant 0 : i32
    %dma_start3A_44 = arith.constant 0 : i32
    %dma_start3A_45 = tpu.memref_slice %arg2[%dma_start3A_43, %dma_start3A_44] : memref<10000x128xf32, #tpu.memory_space<hbm>> -> memref<10000x128xf32, #tpu.memory_space<hbm>>
    tpu.enqueue_indirect_dma source(%dma_start3A_45 : memref<10000x128xf32, #tpu.memory_space<hbm>>) target(%arg10 : memref<128x128xf32, #tpu.memory_space<vmem>>) offsets(%dma_start3A_42 : memref<128xi32, #tpu.memory_space<vmem>>) semaphore(%arg13 : memref<!tpu.dma_semaphore, #tpu.memory_space<semaphore_mem>>)
    %scan3A_46 = arith.constant 0 : i32
    %scan3A_47 = arith.constant 0 : i32
    %scan3A_48 = arith.constant 20 : i32
    %scan3A_49 = arith.addi %scan3A_47, %scan3A_48 : i32
    %scan3A_50 = arith.constant 1 : i32
    scf.for %scan3A_57 = %scan3A_47 to %scan3A_49 step %scan3A_50  : i32 {
      %mul3A_58 = arith.constant 2 : i32
      %mul3A_59 = arith.muli %scan3A_57, %mul3A_58 : i32
      %dma_wait3A_60 = arith.constant 0 : i32
      %dma_wait3A_61 = tpu.memref_slice %arg7[%mul3A_59, %dma_wait3A_60] : memref<40x128xi32, #tpu.memory_space<vmem>> -> memref<1x128xi32, #tpu.memory_space<vmem>>
      %dma_wait3A_62 = tpu.memref_squeeze %dma_wait3A_61 : memref<1x128xi32, #tpu.memory_space<vmem>> -> memref<128xi32, #tpu.memory_space<vmem>>
      %dma_wait3A_63 = arith.constant 0 : i32
      %dma_wait3A_64 = arith.constant 0 : i32
      %dma_wait3A_65 = tpu.memref_slice %arg2[%dma_wait3A_63, %dma_wait3A_64] : memref<10000x128xf32, #tpu.memory_space<hbm>> -> memref<10000x128xf32, #tpu.memory_space<hbm>>
      tpu.wait_indirect_dma semaphore(%arg12 : memref<!tpu.dma_semaphore, #tpu.memory_space<semaphore_mem>>) src(%dma_wait3A_65 : memref<10000x128xf32, #tpu.memory_space<hbm>>) dst(%arg9 : memref<128x128xf32, #tpu.memory_space<vmem>>)
      "tpu.region"() ({
        %run_scoped3A = tpu.sem_alloc : memref<!tpu.dma_semaphore, #tpu.memory_space<semaphore_mem>>
        %dma_start3A_86 = arith.constant 0 : i32
        %dma_start3A_87 = tpu.memref_slice %arg8[%mul3A_59, %dma_start3A_86] : memref<40x128xi32, #tpu.memory_space<vmem>> -> memref<1x128xi32, #tpu.memory_space<vmem>>
        %dma_start3A_88 = tpu.memref_squeeze %dma_start3A_87 : memref<1x128xi32, #tpu.memory_space<vmem>> -> memref<128xi32, #tpu.memory_space<vmem>>
        %dma_start3A_89 = arith.constant 0 : i32
        %dma_start3A_90 = arith.constant 0 : i32
        %dma_start3A_91 = tpu.memref_slice %arg11[%dma_start3A_89, %dma_start3A_90] : memref<10112x128xf32, #tpu.memory_space<vmem_shared>> -> memref<10112x128xf32, #tpu.memory_space<vmem_shared>>
        tpu.enqueue_indirect_dma source(%arg9 : memref<128x128xf32, #tpu.memory_space<vmem>>) target(%dma_start3A_91 : memref<10112x128xf32, #tpu.memory_space<vmem_shared>>) offsets(%dma_start3A_88 : memref<128xi32, #tpu.memory_space<vmem>>) semaphore(%run_scoped3A : memref<!tpu.dma_semaphore, #tpu.memory_space<semaphore_mem>>) {add = true}
        %dma_wait3A_92 = arith.constant 0 : i32
        %dma_wait3A_93 = tpu.memref_slice %arg8[%mul3A_59, %dma_wait3A_92] : memref<40x128xi32, #tpu.memory_space<vmem>> -> memref<1x128xi32, #tpu.memory_space<vmem>>
        %dma_wait3A_94 = tpu.memref_squeeze %dma_wait3A_93 : memref<1x128xi32, #tpu.memory_space<vmem>> -> memref<128xi32, #tpu.memory_space<vmem>>
        %dma_wait3A_95 = arith.constant 0 : i32
        %dma_wait3A_96 = arith.constant 0 : i32
        %dma_wait3A_97 = tpu.memref_slice %arg11[%dma_wait3A_95, %dma_wait3A_96] : memref<10112x128xf32, #tpu.memory_space<vmem_shared>> -> memref<10112x128xf32, #tpu.memory_space<vmem_shared>>
        tpu.wait_indirect_dma semaphore(%run_scoped3A : memref<!tpu.dma_semaphore, #tpu.memory_space<semaphore_mem>>) src(%arg9 : memref<128x128xf32, #tpu.memory_space<vmem>>) dst(%dma_wait3A_97 : memref<10112x128xf32, #tpu.memory_space<vmem_shared>>)
        tpu.yield
      }) : () -> ()
      %add3A = arith.constant 2 : i32
      %add3A_66 = arith.addi %mul3A_59, %add3A : i32
      %lt3A = arith.constant 40 : i32
      %lt3A_67 = arith.cmpi slt, %add3A_66, %lt3A : i32
      %convert_element_type3A = arith.extui %lt3A_67 : i1 to i32
      %cond3A = arith.constant 0 : i32
      %cond3A_68 = arith.cmpi ne, %convert_element_type3A, %cond3A : i32
      scf.if %cond3A_68 {
        %add3A_86 = arith.constant 2 : i32
        %add3A_87 = arith.addi %mul3A_59, %add3A_86 : i32
        %dma_start3A_88 = arith.constant 0 : i32
        %dma_start3A_89 = tpu.memref_slice %arg7[%add3A_87, %dma_start3A_88] : memref<40x128xi32, #tpu.memory_space<vmem>> -> memref<1x128xi32, #tpu.memory_space<vmem>>
        %dma_start3A_90 = tpu.memref_squeeze %dma_start3A_89 : memref<1x128xi32, #tpu.memory_space<vmem>> -> memref<128xi32, #tpu.memory_space<vmem>>
        %dma_start3A_91 = arith.constant 0 : i32
        %dma_start3A_92 = arith.constant 0 : i32
        %dma_start3A_93 = tpu.memref_slice %arg2[%dma_start3A_91, %dma_start3A_92] : memref<10000x128xf32, #tpu.memory_space<hbm>> -> memref<10000x128xf32, #tpu.memory_space<hbm>>
        tpu.enqueue_indirect_dma source(%dma_start3A_93 : memref<10000x128xf32, #tpu.memory_space<hbm>>) target(%arg9 : memref<128x128xf32, #tpu.memory_space<vmem>>) offsets(%dma_start3A_90 : memref<128xi32, #tpu.memory_space<vmem>>) semaphore(%arg12 : memref<!tpu.dma_semaphore, #tpu.memory_space<semaphore_mem>>)
      } else {
      }
      %add3A_69 = arith.constant 1 : i32
      %add3A_70 = arith.addi %mul3A_59, %add3A_69 : i32
      %dma_wait3A_71 = arith.constant 0 : i32
      %dma_wait3A_72 = tpu.memref_slice %arg7[%add3A_70, %dma_wait3A_71] : memref<40x128xi32, #tpu.memory_space<vmem>> -> memref<1x128xi32, #tpu.memory_space<vmem>>
      %dma_wait3A_73 = tpu.memref_squeeze %dma_wait3A_72 : memref<1x128xi32, #tpu.memory_space<vmem>> -> memref<128xi32, #tpu.memory_space<vmem>>
      %dma_wait3A_74 = arith.constant 0 : i32
      %dma_wait3A_75 = arith.constant 0 : i32
      %dma_wait3A_76 = tpu.memref_slice %arg2[%dma_wait3A_74, %dma_wait3A_75] : memref<10000x128xf32, #tpu.memory_space<hbm>> -> memref<10000x128xf32, #tpu.memory_space<hbm>>
      tpu.wait_indirect_dma semaphore(%arg13 : memref<!tpu.dma_semaphore, #tpu.memory_space<semaphore_mem>>) src(%dma_wait3A_76 : memref<10000x128xf32, #tpu.memory_space<hbm>>) dst(%arg10 : memref<128x128xf32, #tpu.memory_space<vmem>>)
      %add3A_77 = arith.constant 1 : i32
      %add3A_78 = arith.addi %mul3A_59, %add3A_77 : i32
      "tpu.region"() ({
        %run_scoped3A = tpu.sem_alloc : memref<!tpu.dma_semaphore, #tpu.memory_space<semaphore_mem>>
        %dma_start3A_86 = arith.constant 0 : i32
        %dma_start3A_87 = tpu.memref_slice %arg8[%add3A_78, %dma_start3A_86] : memref<40x128xi32, #tpu.memory_space<vmem>> -> memref<1x128xi32, #tpu.memory_space<vmem>>
        %dma_start3A_88 = tpu.memref_squeeze %dma_start3A_87 : memref<1x128xi32, #tpu.memory_space<vmem>> -> memref<128xi32, #tpu.memory_space<vmem>>
        %dma_start3A_89 = arith.constant 0 : i32
        %dma_start3A_90 = arith.constant 0 : i32
        %dma_start3A_91 = tpu.memref_slice %arg11[%dma_start3A_89, %dma_start3A_90] : memref<10112x128xf32, #tpu.memory_space<vmem_shared>> -> memref<10112x128xf32, #tpu.memory_space<vmem_shared>>
        tpu.enqueue_indirect_dma source(%arg10 : memref<128x128xf32, #tpu.memory_space<vmem>>) target(%dma_start3A_91 : memref<10112x128xf32, #tpu.memory_space<vmem_shared>>) offsets(%dma_start3A_88 : memref<128xi32, #tpu.memory_space<vmem>>) semaphore(%run_scoped3A : memref<!tpu.dma_semaphore, #tpu.memory_space<semaphore_mem>>) {add = true}
        %dma_wait3A_92 = arith.constant 0 : i32
        %dma_wait3A_93 = tpu.memref_slice %arg8[%add3A_78, %dma_wait3A_92] : memref<40x128xi32, #tpu.memory_space<vmem>> -> memref<1x128xi32, #tpu.memory_space<vmem>>
        %dma_wait3A_94 = tpu.memref_squeeze %dma_wait3A_93 : memref<1x128xi32, #tpu.memory_space<vmem>> -> memref<128xi32, #tpu.memory_space<vmem>>
        %dma_wait3A_95 = arith.constant 0 : i32
        %dma_wait3A_96 = arith.constant 0 : i32
        %dma_wait3A_97 = tpu.memref_slice %arg11[%dma_wait3A_95, %dma_wait3A_96] : memref<10112x128xf32, #tpu.memory_space<vmem_shared>> -> memref<10112x128xf32, #tpu.memory_space<vmem_shared>>
        tpu.wait_indirect_dma semaphore(%run_scoped3A : memref<!tpu.dma_semaphore, #tpu.memory_space<semaphore_mem>>) src(%arg10 : memref<128x128xf32, #tpu.memory_space<vmem>>) dst(%dma_wait3A_97 : memref<10112x128xf32, #tpu.memory_space<vmem_shared>>)
        tpu.yield
      }) : () -> ()
      %add3A_79 = arith.constant 3 : i32
      %add3A_80 = arith.addi %mul3A_59, %add3A_79 : i32
      %lt3A_81 = arith.constant 40 : i32
      %lt3A_82 = arith.cmpi slt, %add3A_80, %lt3A_81 : i32
      %convert_element_type3A_83 = arith.extui %lt3A_82 : i1 to i32
      %cond3A_84 = arith.constant 0 : i32
      %cond3A_85 = arith.cmpi ne, %convert_element_type3A_83, %cond3A_84 : i32
      scf.if %cond3A_85 {
        %add3A_86 = arith.constant 3 : i32
        %add3A_87 = arith.addi %mul3A_59, %add3A_86 : i32
        %dma_start3A_88 = arith.constant 0 : i32
        %dma_start3A_89 = tpu.memref_slice %arg7[%add3A_87, %dma_start3A_88] : memref<40x128xi32, #tpu.memory_space<vmem>> -> memref<1x128xi32, #tpu.memory_space<vmem>>
        %dma_start3A_90 = tpu.memref_squeeze %dma_start3A_89 : memref<1x128xi32, #tpu.memory_space<vmem>> -> memref<128xi32, #tpu.memory_space<vmem>>
        %dma_start3A_91 = arith.constant 0 : i32
        %dma_start3A_92 = arith.constant 0 : i32
        %dma_start3A_93 = tpu.memref_slice %arg2[%dma_start3A_91, %dma_start3A_92] : memref<10000x128xf32, #tpu.memory_space<hbm>> -> memref<10000x128xf32, #tpu.memory_space<hbm>>
        tpu.enqueue_indirect_dma source(%dma_start3A_93 : memref<10000x128xf32, #tpu.memory_space<hbm>>) target(%arg10 : memref<128x128xf32, #tpu.memory_space<vmem>>) offsets(%dma_start3A_90 : memref<128xi32, #tpu.memory_space<vmem>>) semaphore(%arg13 : memref<!tpu.dma_semaphore, #tpu.memory_space<semaphore_mem>>)
      } else {
      }
    }
    %scan3A_51 = arith.constant 20 : i32
    %barrier3A_52 = arith.constant 0 : index
    tpu.barrier barrier_id(%barrier3A_52)
    %mul3A_53 = arith.constant 632 : i32
    %mul3A_54 = arith.muli %arg1, %mul3A_53 : i32
    %mul3A_55 = arith.constant 632 : i32
    %mul3A_56 = arith.muli %arg1, %mul3A_55 : i32
    "tpu.region"() ({
      %run_scoped3A = tpu.sem_alloc : memref<!tpu.dma_semaphore, #tpu.memory_space<semaphore_mem>>
      %dma_start3A_57 = arith.constant 0 : i32
      %dma_start3A_58 = tpu.memref_slice %arg6[%arg0, %mul3A_56, %dma_start3A_57] : memref<2x10112x128xf32, #tpu.memory_space<hbm>> -> memref<1x632x128xf32, #tpu.memory_space<hbm>>
      %dma_start3A_59 = tpu.memref_squeeze %dma_start3A_58 : memref<1x632x128xf32, #tpu.memory_space<hbm>> -> memref<632x128xf32, #tpu.memory_space<hbm>>
      %dma_start3A_60 = arith.constant 0 : i32
      %dma_start3A_61 = tpu.memref_slice %arg11[%mul3A_54, %dma_start3A_60] : memref<10112x128xf32, #tpu.memory_space<vmem_shared>> -> memref<632x128xf32, #tpu.memory_space<vmem_shared>>
      tpu.enqueue_dma source(%dma_start3A_61 : memref<632x128xf32, #tpu.memory_space<vmem_shared>>) target(%dma_start3A_59 : memref<632x128xf32, #tpu.memory_space<hbm>>) target_semaphore(%run_scoped3A : memref<!tpu.dma_semaphore, #tpu.memory_space<semaphore_mem>>)
      %dma_wait3A_62 = arith.constant 0 : i32
      %dma_wait3A_63 = tpu.memref_slice %arg6[%arg0, %mul3A_56, %dma_wait3A_62] : memref<2x10112x128xf32, #tpu.memory_space<hbm>> -> memref<1x632x128xf32, #tpu.memory_space<hbm>>
      %dma_wait3A_64 = tpu.memref_squeeze %dma_wait3A_63 : memref<1x632x128xf32, #tpu.memory_space<hbm>> -> memref<632x128xf32, #tpu.memory_space<hbm>>
      %dma_wait3A_65 = arith.constant 0 : i32
      %dma_wait3A_66 = tpu.memref_slice %arg11[%mul3A_54, %dma_wait3A_65] : memref<10112x128xf32, #tpu.memory_space<vmem_shared>> -> memref<632x128xf32, #tpu.memory_space<vmem_shared>>
      tpu.wait_dma2 semaphore(%run_scoped3A : memref<!tpu.dma_semaphore, #tpu.memory_space<semaphore_mem>>) src(%dma_wait3A_66 : memref<632x128xf32, #tpu.memory_space<vmem_shared>>) dst(%dma_wait3A_64 : memref<632x128xf32, #tpu.memory_space<hbm>>)
      tpu.yield
    }) : () -> ()
    return
  }
}

module attributes {stable_mosaic.version = 14 : i64} {
  func.func @_in_edge_body(%arg0: i32, %arg1: memref<2000x128xf32, #tpu.memory_space<vmem>>, %arg2: memref<128x128xf32, #tpu.memory_space<vmem>>, %arg3: memref<1x128xf32, #tpu.memory_space<vmem>>, %arg4: memref<128x128xf32, #tpu.memory_space<vmem>>, %arg5: memref<1x128xf32, #tpu.memory_space<vmem>>, %arg6: memref<128x128xf32, #tpu.memory_space<vmem>>, %arg7: memref<1x128xf32, #tpu.memory_space<vmem>>, %arg8: memref<2000x128xf32, #tpu.memory_space<vmem>>, %arg9: memref<2000x128xf32, #tpu.memory_space<vmem>>) attributes {dimension_semantics = [#tpu.dimension_semantics<arbitrary>], iteration_bounds = array<i64: 5>, scalar_prefetch = 0 : i64, scratch_operands = 0 : i64, tpu.core_type = #tpu.core_type<tc>, window_params = [{transform_indices = @transform_0, window_bounds = array<i64: 2000, 128>}, {pipeline_mode = #tpu.pipeline_mode<synchronous>, transform_indices = @transform_1, window_bounds = array<i64: 128, 128>}, {pipeline_mode = #tpu.pipeline_mode<synchronous>, transform_indices = @transform_2, window_bounds = array<i64: 1, 128>}, {pipeline_mode = #tpu.pipeline_mode<synchronous>, transform_indices = @transform_3, window_bounds = array<i64: 128, 128>}, {pipeline_mode = #tpu.pipeline_mode<synchronous>, transform_indices = @transform_4, window_bounds = array<i64: 1, 128>}, {pipeline_mode = #tpu.pipeline_mode<synchronous>, transform_indices = @transform_5, window_bounds = array<i64: 128, 128>}, {pipeline_mode = #tpu.pipeline_mode<synchronous>, transform_indices = @transform_6, window_bounds = array<i64: 1, 128>}, {transform_indices = @transform_7, window_bounds = array<i64: 2000, 128>}, {transform_indices = @transform_8, window_bounds = array<i64: 2000, 128>}]} {
    %get3A = arith.constant 0 : index
    %get3A_0 = arith.constant 0 : index
    %get3A_1 = vector.load %arg1[%get3A, %get3A_0] : memref<2000x128xf32, #tpu.memory_space<vmem>>, vector<2000x128xf32>
    %get3A_2 = arith.constant 0 : index
    %get3A_3 = arith.constant 0 : index
    %get3A_4 = vector.load %arg2[%get3A_2, %get3A_3] : memref<128x128xf32, #tpu.memory_space<vmem>>, vector<128x128xf32>
    %dot_general3A = arith.constant dense<0.000000e+00> : vector<2000x128xf32>
    %dot_general3A_5 = tpu.matmul %get3A_1, %get3A_4, %dot_general3A {dimension_numbers = #tpu.dot_dimension_numbers<[1], [0], [0], [1], [0, 0, 1, 1], [], []>, transpose_lhs_hint = false} : vector<2000x128xf32>, vector<128x128xf32>, vector<2000x128xf32> -> vector<2000x128xf32>
    %get3A_6 = arith.constant 0 : index
    %get3A_7 = arith.constant 0 : index
    %get3A_8 = vector.load %arg3[%get3A_6, %get3A_7] : memref<1x128xf32, #tpu.memory_space<vmem>>, vector<1x128xf32>
    %add3A = vector.broadcast %get3A_8 : vector<1x128xf32> to vector<2000x128xf32>
    %add3A_9 = arith.addf %dot_general3A_5, %add3A : vector<2000x128xf32>
    %tanh3A = math.tanh %add3A_9 : vector<2000x128xf32>
    %swap3A = arith.constant 0 : index
    %swap3A_10 = arith.constant 0 : index
    %swap3A_11 = vector.load %arg8[%swap3A, %swap3A_10] : memref<2000x128xf32, #tpu.memory_space<vmem>>, vector<2000x128xf32>
    tpu.vector_store %arg8[%swap3A, %swap3A_10], %tanh3A {strides = array<i32>} : memref<2000x128xf32, #tpu.memory_space<vmem>>, vector<2000x128xf32>,
    %get3A_12 = arith.constant 0 : index
    %get3A_13 = arith.constant 0 : index
    %get3A_14 = vector.load %arg4[%get3A_12, %get3A_13] : memref<128x128xf32, #tpu.memory_space<vmem>>, vector<128x128xf32>
    %dot_general3A_15 = arith.constant dense<0.000000e+00> : vector<2000x128xf32>
    %dot_general3A_16 = tpu.matmul %tanh3A, %get3A_14, %dot_general3A_15 {dimension_numbers = #tpu.dot_dimension_numbers<[1], [0], [0], [1], [0, 0, 1, 1], [], []>, transpose_lhs_hint = false} : vector<2000x128xf32>, vector<128x128xf32>, vector<2000x128xf32> -> vector<2000x128xf32>
    %get3A_17 = arith.constant 0 : index
    %get3A_18 = arith.constant 0 : index
    %get3A_19 = vector.load %arg5[%get3A_17, %get3A_18] : memref<1x128xf32, #tpu.memory_space<vmem>>, vector<1x128xf32>
    %add3A_20 = vector.broadcast %get3A_19 : vector<1x128xf32> to vector<2000x128xf32>
    %add3A_21 = arith.addf %dot_general3A_16, %add3A_20 : vector<2000x128xf32>
    %tanh3A_22 = math.tanh %add3A_21 : vector<2000x128xf32>
    %get3A_23 = arith.constant 0 : index
    %get3A_24 = arith.constant 0 : index
    %get3A_25 = vector.load %arg6[%get3A_23, %get3A_24] : memref<128x128xf32, #tpu.memory_space<vmem>>, vector<128x128xf32>
    %dot_general3A_26 = arith.constant dense<0.000000e+00> : vector<2000x128xf32>
    %dot_general3A_27 = tpu.matmul %tanh3A_22, %get3A_25, %dot_general3A_26 {dimension_numbers = #tpu.dot_dimension_numbers<[1], [0], [0], [1], [0, 0, 1, 1], [], []>, transpose_lhs_hint = false} : vector<2000x128xf32>, vector<128x128xf32>, vector<2000x128xf32> -> vector<2000x128xf32>
    %get3A_28 = arith.constant 0 : index
    %get3A_29 = arith.constant 0 : index
    %get3A_30 = vector.load %arg7[%get3A_28, %get3A_29] : memref<1x128xf32, #tpu.memory_space<vmem>>, vector<1x128xf32>
    %add3A_31 = vector.broadcast %get3A_30 : vector<1x128xf32> to vector<2000x128xf32>
    %add3A_32 = arith.addf %dot_general3A_27, %add3A_31 : vector<2000x128xf32>
    %swap3A_33 = arith.constant 0 : index
    %swap3A_34 = arith.constant 0 : index
    %swap3A_35 = vector.load %arg9[%swap3A_33, %swap3A_34] : memref<2000x128xf32, #tpu.memory_space<vmem>>, vector<2000x128xf32>
    tpu.vector_store %arg9[%swap3A_33, %swap3A_34], %add3A_32 {strides = array<i32>} : memref<2000x128xf32, #tpu.memory_space<vmem>>, vector<2000x128xf32>,
    return
  }
  func.func @transform_0(%arg0: i32) -> (i32, i32) {
    %c0_i32 = arith.constant 0 : i32
    %c0_i32_0 = arith.constant 0 : i32
    return %arg0, %c0_i32 : i32, i32
  }
  func.func @transform_1(%arg0: i32) -> (i32, i32) {
    %c0_i32 = arith.constant 0 : i32
    %c0_i32_0 = arith.constant 0 : i32
    %c0_i32_1 = arith.constant 0 : i32
    return %c0_i32, %c0_i32_0 : i32, i32
  }
  func.func @transform_2(%arg0: i32) -> (i32, i32) {
    %c0_i32 = arith.constant 0 : i32
    %c0_i32_0 = arith.constant 0 : i32
    %c0_i32_1 = arith.constant 0 : i32
    return %c0_i32, %c0_i32_0 : i32, i32
  }
  func.func @transform_3(%arg0: i32) -> (i32, i32) {
    %c0_i32 = arith.constant 0 : i32
    %c0_i32_0 = arith.constant 0 : i32
    %c0_i32_1 = arith.constant 0 : i32
    return %c0_i32, %c0_i32_0 : i32, i32
  }
  func.func @transform_4(%arg0: i32) -> (i32, i32) {
    %c0_i32 = arith.constant 0 : i32
    %c0_i32_0 = arith.constant 0 : i32
    %c0_i32_1 = arith.constant 0 : i32
    return %c0_i32, %c0_i32_0 : i32, i32
  }
  func.func @transform_5(%arg0: i32) -> (i32, i32) {
    %c0_i32 = arith.constant 0 : i32
    %c0_i32_0 = arith.constant 0 : i32
    %c0_i32_1 = arith.constant 0 : i32
    return %c0_i32, %c0_i32_0 : i32, i32
  }
  func.func @transform_6(%arg0: i32) -> (i32, i32) {
    %c0_i32 = arith.constant 0 : i32
    %c0_i32_0 = arith.constant 0 : i32
    %c0_i32_1 = arith.constant 0 : i32
    return %c0_i32, %c0_i32_0 : i32, i32
  }
  func.func @transform_7(%arg0: i32) -> (i32, i32) {
    %c0_i32 = arith.constant 0 : i32
    %c0_i32_0 = arith.constant 0 : i32
    return %arg0, %c0_i32 : i32, i32
  }
  func.func @transform_8(%arg0: i32) -> (i32, i32) {
    %c0_i32 = arith.constant 0 : i32
    %c0_i32_0 = arith.constant 0 : i32
    return %arg0, %c0_i32 : i32, i32
  }
}

module attributes {stable_mosaic.version = 14 : i64} {
  func.func @_node_edge_body(%arg0: i32, %arg1: memref<2000x128xf32, #tpu.memory_space<vmem>>, %arg2: memref<2x2000x128xf32, #tpu.memory_space<vmem>>, %arg3: memref<128x128xf32, #tpu.memory_space<vmem>>, %arg4: memref<128x128xf32, #tpu.memory_space<vmem>>, %arg5: memref<1x128xf32, #tpu.memory_space<vmem>>, %arg6: memref<128x128xf32, #tpu.memory_space<vmem>>, %arg7: memref<1x128xf32, #tpu.memory_space<vmem>>, %arg8: memref<128x128xf32, #tpu.memory_space<vmem>>, %arg9: memref<1x128xf32, #tpu.memory_space<vmem>>, %arg10: memref<2000x128xf32, #tpu.memory_space<vmem>>, %arg11: memref<2000x128xf32, #tpu.memory_space<vmem>>) attributes {dimension_semantics = [#tpu.dimension_semantics<arbitrary>], iteration_bounds = array<i64: 5>, scalar_prefetch = 0 : i64, scratch_operands = 0 : i64, tpu.core_type = #tpu.core_type<tc>, window_params = [{transform_indices = @transform_0, window_bounds = array<i64: 2000, 128>}, {transform_indices = @transform_1, window_bounds = array<i64: 2, 2000, 128>}, {pipeline_mode = #tpu.pipeline_mode<synchronous>, transform_indices = @transform_2, window_bounds = array<i64: 128, 128>}, {pipeline_mode = #tpu.pipeline_mode<synchronous>, transform_indices = @transform_3, window_bounds = array<i64: 128, 128>}, {pipeline_mode = #tpu.pipeline_mode<synchronous>, transform_indices = @transform_4, window_bounds = array<i64: 1, 128>}, {pipeline_mode = #tpu.pipeline_mode<synchronous>, transform_indices = @transform_5, window_bounds = array<i64: 128, 128>}, {pipeline_mode = #tpu.pipeline_mode<synchronous>, transform_indices = @transform_6, window_bounds = array<i64: 1, 128>}, {pipeline_mode = #tpu.pipeline_mode<synchronous>, transform_indices = @transform_7, window_bounds = array<i64: 128, 128>}, {pipeline_mode = #tpu.pipeline_mode<synchronous>, transform_indices = @transform_8, window_bounds = array<i64: 1, 128>}, {transform_indices = @transform_9, window_bounds = array<i64: 2000, 128>}, {transform_indices = @transform_10, window_bounds = array<i64: 2000, 128>}]} {
    %get3A = arith.constant 0 : index
    %get3A_0 = arith.constant 0 : index
    %get3A_1 = arith.constant 0 : index
    %get3A_2 = vector.load %arg2[%get3A, %get3A_0, %get3A_1] : memref<2x2000x128xf32, #tpu.memory_space<vmem>>, vector<1x2000x128xf32>
    %get3A_3 = vector.shape_cast %get3A_2 : vector<1x2000x128xf32> to vector<2000x128xf32>
    %get3A_4 = arith.constant 1 : index
    %get3A_5 = arith.constant 0 : index
    %get3A_6 = arith.constant 0 : index
    %get3A_7 = vector.load %arg2[%get3A_4, %get3A_5, %get3A_6] : memref<2x2000x128xf32, #tpu.memory_space<vmem>>, vector<1x2000x128xf32>
    %get3A_8 = vector.shape_cast %get3A_7 : vector<1x2000x128xf32> to vector<2000x128xf32>
    %add3A = arith.addf %get3A_3, %get3A_8 : vector<2000x128xf32>
    %get3A_9 = arith.constant 0 : index
    %get3A_10 = arith.constant 0 : index
    %get3A_11 = vector.load %arg1[%get3A_9, %get3A_10] : memref<2000x128xf32, #tpu.memory_space<vmem>>, vector<2000x128xf32>
    %get3A_12 = arith.constant 0 : index
    %get3A_13 = arith.constant 0 : index
    %get3A_14 = vector.load %arg3[%get3A_12, %get3A_13] : memref<128x128xf32, #tpu.memory_space<vmem>>, vector<128x128xf32>
    %dot_general3A = arith.constant dense<0.000000e+00> : vector<2000x128xf32>
    %dot_general3A_15 = tpu.matmul %get3A_11, %get3A_14, %dot_general3A {dimension_numbers = #tpu.dot_dimension_numbers<[1], [0], [0], [1], [0, 0, 1, 1], [], []>, transpose_lhs_hint = false} : vector<2000x128xf32>, vector<128x128xf32>, vector<2000x128xf32> -> vector<2000x128xf32>
    %get3A_16 = arith.constant 0 : index
    %get3A_17 = arith.constant 0 : index
    %get3A_18 = vector.load %arg4[%get3A_16, %get3A_17] : memref<128x128xf32, #tpu.memory_space<vmem>>, vector<128x128xf32>
    %dot_general3A_19 = arith.constant dense<0.000000e+00> : vector<2000x128xf32>
    %dot_general3A_20 = tpu.matmul %add3A, %get3A_18, %dot_general3A_19 {dimension_numbers = #tpu.dot_dimension_numbers<[1], [0], [0], [1], [0, 0, 1, 1], [], []>, transpose_lhs_hint = false} : vector<2000x128xf32>, vector<128x128xf32>, vector<2000x128xf32> -> vector<2000x128xf32>
    %add3A_21 = arith.addf %dot_general3A_15, %dot_general3A_20 : vector<2000x128xf32>
    %get3A_22 = arith.constant 0 : index
    %get3A_23 = arith.constant 0 : index
    %get3A_24 = vector.load %arg5[%get3A_22, %get3A_23] : memref<1x128xf32, #tpu.memory_space<vmem>>, vector<1x128xf32>
    %add3A_25 = vector.broadcast %get3A_24 : vector<1x128xf32> to vector<2000x128xf32>
    %add3A_26 = arith.addf %add3A_21, %add3A_25 : vector<2000x128xf32>
    %tanh3A = math.tanh %add3A_26 : vector<2000x128xf32>
    %swap3A = arith.constant 0 : index
    %swap3A_27 = arith.constant 0 : index
    %swap3A_28 = vector.load %arg10[%swap3A, %swap3A_27] : memref<2000x128xf32, #tpu.memory_space<vmem>>, vector<2000x128xf32>
    tpu.vector_store %arg10[%swap3A, %swap3A_27], %tanh3A {strides = array<i32>} : memref<2000x128xf32, #tpu.memory_space<vmem>>, vector<2000x128xf32>,
    %get3A_29 = arith.constant 0 : index
    %get3A_30 = arith.constant 0 : index
    %get3A_31 = vector.load %arg6[%get3A_29, %get3A_30] : memref<128x128xf32, #tpu.memory_space<vmem>>, vector<128x128xf32>
    %dot_general3A_32 = arith.constant dense<0.000000e+00> : vector<2000x128xf32>
    %dot_general3A_33 = tpu.matmul %tanh3A, %get3A_31, %dot_general3A_32 {dimension_numbers = #tpu.dot_dimension_numbers<[1], [0], [0], [1], [0, 0, 1, 1], [], []>, transpose_lhs_hint = false} : vector<2000x128xf32>, vector<128x128xf32>, vector<2000x128xf32> -> vector<2000x128xf32>
    %get3A_34 = arith.constant 0 : index
    %get3A_35 = arith.constant 0 : index
    %get3A_36 = vector.load %arg7[%get3A_34, %get3A_35] : memref<1x128xf32, #tpu.memory_space<vmem>>, vector<1x128xf32>
    %add3A_37 = vector.broadcast %get3A_36 : vector<1x128xf32> to vector<2000x128xf32>
    %add3A_38 = arith.addf %dot_general3A_33, %add3A_37 : vector<2000x128xf32>
    %tanh3A_39 = math.tanh %add3A_38 : vector<2000x128xf32>
    %get3A_40 = arith.constant 0 : index
    %get3A_41 = arith.constant 0 : index
    %get3A_42 = vector.load %arg8[%get3A_40, %get3A_41] : memref<128x128xf32, #tpu.memory_space<vmem>>, vector<128x128xf32>
    %dot_general3A_43 = arith.constant dense<0.000000e+00> : vector<2000x128xf32>
    %dot_general3A_44 = tpu.matmul %tanh3A_39, %get3A_42, %dot_general3A_43 {dimension_numbers = #tpu.dot_dimension_numbers<[1], [0], [0], [1], [0, 0, 1, 1], [], []>, transpose_lhs_hint = false} : vector<2000x128xf32>, vector<128x128xf32>, vector<2000x128xf32> -> vector<2000x128xf32>
    %get3A_45 = arith.constant 0 : index
    %get3A_46 = arith.constant 0 : index
    %get3A_47 = vector.load %arg9[%get3A_45, %get3A_46] : memref<1x128xf32, #tpu.memory_space<vmem>>, vector<1x128xf32>
    %add3A_48 = vector.broadcast %get3A_47 : vector<1x128xf32> to vector<2000x128xf32>
    %add3A_49 = arith.addf %dot_general3A_44, %add3A_48 : vector<2000x128xf32>
    %swap3A_50 = arith.constant 0 : index
    %swap3A_51 = arith.constant 0 : index
    %swap3A_52 = vector.load %arg11[%swap3A_50, %swap3A_51] : memref<2000x128xf32, #tpu.memory_space<vmem>>, vector<2000x128xf32>
    tpu.vector_store %arg11[%swap3A_50, %swap3A_51], %add3A_49 {strides = array<i32>} : memref<2000x128xf32, #tpu.memory_space<vmem>>, vector<2000x128xf32>,
    return
  }
  func.func @transform_0(%arg0: i32) -> (i32, i32) {
    %c0_i32 = arith.constant 0 : i32
    %c0_i32_0 = arith.constant 0 : i32
    return %arg0, %c0_i32 : i32, i32
  }
  func.func @transform_1(%arg0: i32) -> (i32, i32, i32) {
    %c0_i32 = arith.constant 0 : i32
    %c0_i32_0 = arith.constant 0 : i32
    %c0_i32_1 = arith.constant 0 : i32
    return %c0_i32, %arg0, %c0_i32_0 : i32, i32, i32
  }
  func.func @transform_2(%arg0: i32) -> (i32, i32) {
    %c0_i32 = arith.constant 0 : i32
    %c0_i32_0 = arith.constant 0 : i32
    %c0_i32_1 = arith.constant 0 : i32
    return %c0_i32, %c0_i32_0 : i32, i32
  }
  func.func @transform_3(%arg0: i32) -> (i32, i32) {
    %c0_i32 = arith.constant 0 : i32
    %c0_i32_0 = arith.constant 0 : i32
    %c0_i32_1 = arith.constant 0 : i32
    return %c0_i32, %c0_i32_0 : i32, i32
  }
  func.func @transform_4(%arg0: i32) -> (i32, i32) {
    %c0_i32 = arith.constant 0 : i32
    %c0_i32_0 = arith.constant 0 : i32
    %c0_i32_1 = arith.constant 0 : i32
    return %c0_i32, %c0_i32_0 : i32, i32
  }
  func.func @transform_5(%arg0: i32) -> (i32, i32) {
    %c0_i32 = arith.constant 0 : i32
    %c0_i32_0 = arith.constant 0 : i32
    %c0_i32_1 = arith.constant 0 : i32
    return %c0_i32, %c0_i32_0 : i32, i32
  }
  func.func @transform_6(%arg0: i32) -> (i32, i32) {
    %c0_i32 = arith.constant 0 : i32
    %c0_i32_0 = arith.constant 0 : i32
    %c0_i32_1 = arith.constant 0 : i32
    return %c0_i32, %c0_i32_0 : i32, i32
  }
  func.func @transform_7(%arg0: i32) -> (i32, i32) {
    %c0_i32 = arith.constant 0 : i32
    %c0_i32_0 = arith.constant 0 : i32
    %c0_i32_1 = arith.constant 0 : i32
    return %c0_i32, %c0_i32_0 : i32, i32
  }
  func.func @transform_8(%arg0: i32) -> (i32, i32) {
    %c0_i32 = arith.constant 0 : i32
    %c0_i32_0 = arith.constant 0 : i32
    %c0_i32_1 = arith.constant 0 : i32
    return %c0_i32, %c0_i32_0 : i32, i32
  }
  func.func @transform_9(%arg0: i32) -> (i32, i32) {
    %c0_i32 = arith.constant 0 : i32
    %c0_i32_0 = arith.constant 0 : i32
    return %arg0, %c0_i32 : i32, i32
  }
  func.func @transform_10(%arg0: i32) -> (i32, i32) {
    %c0_i32 = arith.constant 0 : i32
    %c0_i32_0 = arith.constant 0 : i32
    return %arg0, %c0_i32 : i32, i32
  }
}

module attributes {stable_mosaic.version = 14 : i64} {
  func.func @_node_out_body(%arg0: i32, %arg1: memref<2000x128xf32, #tpu.memory_space<vmem>>, %arg2: memref<2x2000x128xf32, #tpu.memory_space<vmem>>, %arg3: memref<128x128xf32, #tpu.memory_space<vmem>>, %arg4: memref<128x128xf32, #tpu.memory_space<vmem>>, %arg5: memref<1x128xf32, #tpu.memory_space<vmem>>, %arg6: memref<128x1xf32, #tpu.memory_space<vmem>>, %arg7: memref<1x1xf32, #tpu.memory_space<vmem>>, %arg8: memref<2000x1xf32, #tpu.memory_space<vmem>>) attributes {dimension_semantics = [#tpu.dimension_semantics<arbitrary>], iteration_bounds = array<i64: 5>, scalar_prefetch = 0 : i64, scratch_operands = 0 : i64, tpu.core_type = #tpu.core_type<tc>, window_params = [{transform_indices = @transform_0, window_bounds = array<i64: 2000, 128>}, {transform_indices = @transform_1, window_bounds = array<i64: 2, 2000, 128>}, {pipeline_mode = #tpu.pipeline_mode<synchronous>, transform_indices = @transform_2, window_bounds = array<i64: 128, 128>}, {pipeline_mode = #tpu.pipeline_mode<synchronous>, transform_indices = @transform_3, window_bounds = array<i64: 128, 128>}, {pipeline_mode = #tpu.pipeline_mode<synchronous>, transform_indices = @transform_4, window_bounds = array<i64: 1, 128>}, {pipeline_mode = #tpu.pipeline_mode<synchronous>, transform_indices = @transform_5, window_bounds = array<i64: 128, 1>}, {pipeline_mode = #tpu.pipeline_mode<synchronous>, transform_indices = @transform_6, window_bounds = array<i64: 1, 1>}, {transform_indices = @transform_7, window_bounds = array<i64: 2000, 1>}]} {
    %get3A = arith.constant 0 : index
    %get3A_0 = arith.constant 0 : index
    %get3A_1 = arith.constant 0 : index
    %get3A_2 = vector.load %arg2[%get3A, %get3A_0, %get3A_1] : memref<2x2000x128xf32, #tpu.memory_space<vmem>>, vector<1x2000x128xf32>
    %get3A_3 = vector.shape_cast %get3A_2 : vector<1x2000x128xf32> to vector<2000x128xf32>
    %get3A_4 = arith.constant 1 : index
    %get3A_5 = arith.constant 0 : index
    %get3A_6 = arith.constant 0 : index
    %get3A_7 = vector.load %arg2[%get3A_4, %get3A_5, %get3A_6] : memref<2x2000x128xf32, #tpu.memory_space<vmem>>, vector<1x2000x128xf32>
    %get3A_8 = vector.shape_cast %get3A_7 : vector<1x2000x128xf32> to vector<2000x128xf32>
    %add3A = arith.addf %get3A_3, %get3A_8 : vector<2000x128xf32>
    %get3A_9 = arith.constant 0 : index
    %get3A_10 = arith.constant 0 : index
    %get3A_11 = vector.load %arg1[%get3A_9, %get3A_10] : memref<2000x128xf32, #tpu.memory_space<vmem>>, vector<2000x128xf32>
    %get3A_12 = arith.constant 0 : index
    %get3A_13 = arith.constant 0 : index
    %get3A_14 = vector.load %arg3[%get3A_12, %get3A_13] : memref<128x128xf32, #tpu.memory_space<vmem>>, vector<128x128xf32>
    %dot_general3A = arith.constant dense<0.000000e+00> : vector<2000x128xf32>
    %dot_general3A_15 = tpu.matmul %get3A_11, %get3A_14, %dot_general3A {dimension_numbers = #tpu.dot_dimension_numbers<[1], [0], [0], [1], [0, 0, 1, 1], [], []>, transpose_lhs_hint = false} : vector<2000x128xf32>, vector<128x128xf32>, vector<2000x128xf32> -> vector<2000x128xf32>
    %get3A_16 = arith.constant 0 : index
    %get3A_17 = arith.constant 0 : index
    %get3A_18 = vector.load %arg4[%get3A_16, %get3A_17] : memref<128x128xf32, #tpu.memory_space<vmem>>, vector<128x128xf32>
    %dot_general3A_19 = arith.constant dense<0.000000e+00> : vector<2000x128xf32>
    %dot_general3A_20 = tpu.matmul %add3A, %get3A_18, %dot_general3A_19 {dimension_numbers = #tpu.dot_dimension_numbers<[1], [0], [0], [1], [0, 0, 1, 1], [], []>, transpose_lhs_hint = false} : vector<2000x128xf32>, vector<128x128xf32>, vector<2000x128xf32> -> vector<2000x128xf32>
    %add3A_21 = arith.addf %dot_general3A_15, %dot_general3A_20 : vector<2000x128xf32>
    %get3A_22 = arith.constant 0 : index
    %get3A_23 = arith.constant 0 : index
    %get3A_24 = vector.load %arg5[%get3A_22, %get3A_23] : memref<1x128xf32, #tpu.memory_space<vmem>>, vector<1x128xf32>
    %add3A_25 = vector.broadcast %get3A_24 : vector<1x128xf32> to vector<2000x128xf32>
    %add3A_26 = arith.addf %add3A_21, %add3A_25 : vector<2000x128xf32>
    %tanh3A = math.tanh %add3A_26 : vector<2000x128xf32>
    %get3A_27 = arith.constant 0 : index
    %get3A_28 = arith.constant 0 : index
    %get3A_29 = vector.load %arg6[%get3A_27, %get3A_28] : memref<128x1xf32, #tpu.memory_space<vmem>>, vector<128x1xf32>
    %dot_general3A_30 = arith.constant dense<0.000000e+00> : vector<2000x1xf32>
    %dot_general3A_31 = tpu.matmul %tanh3A, %get3A_29, %dot_general3A_30 {dimension_numbers = #tpu.dot_dimension_numbers<[1], [0], [0], [1], [0, 0, 1, 1], [], []>, transpose_lhs_hint = false} : vector<2000x128xf32>, vector<128x1xf32>, vector<2000x1xf32> -> vector<2000x1xf32>
    %get3A_32 = arith.constant 0 : index
    %get3A_33 = arith.constant 0 : index
    %get3A_34 = vector.load %arg7[%get3A_32, %get3A_33] : memref<1x1xf32, #tpu.memory_space<vmem>>, vector<1x1xf32>
    %add3A_35 = vector.broadcast %get3A_34 : vector<1x1xf32> to vector<2000x1xf32>
    %add3A_36 = arith.addf %dot_general3A_31, %add3A_35 : vector<2000x1xf32>
    %swap3A = arith.constant 0 : index
    %swap3A_37 = arith.constant 0 : index
    %swap3A_38 = vector.load %arg8[%swap3A, %swap3A_37] : memref<2000x1xf32, #tpu.memory_space<vmem>>, vector<2000x1xf32>
    tpu.vector_store %arg8[%swap3A, %swap3A_37], %add3A_36 {strides = array<i32>} : memref<2000x1xf32, #tpu.memory_space<vmem>>, vector<2000x1xf32>,
    return
  }
  func.func @transform_0(%arg0: i32) -> (i32, i32) {
    %c0_i32 = arith.constant 0 : i32
    %c0_i32_0 = arith.constant 0 : i32
    return %arg0, %c0_i32 : i32, i32
  }
  func.func @transform_1(%arg0: i32) -> (i32, i32, i32) {
    %c0_i32 = arith.constant 0 : i32
    %c0_i32_0 = arith.constant 0 : i32
    %c0_i32_1 = arith.constant 0 : i32
    return %c0_i32, %arg0, %c0_i32_0 : i32, i32, i32
  }
  func.func @transform_2(%arg0: i32) -> (i32, i32) {
    %c0_i32 = arith.constant 0 : i32
    %c0_i32_0 = arith.constant 0 : i32
    %c0_i32_1 = arith.constant 0 : i32
    return %c0_i32, %c0_i32_0 : i32, i32
  }
  func.func @transform_3(%arg0: i32) -> (i32, i32) {
    %c0_i32 = arith.constant 0 : i32
    %c0_i32_0 = arith.constant 0 : i32
    %c0_i32_1 = arith.constant 0 : i32
    return %c0_i32, %c0_i32_0 : i32, i32
  }
  func.func @transform_4(%arg0: i32) -> (i32, i32) {
    %c0_i32 = arith.constant 0 : i32
    %c0_i32_0 = arith.constant 0 : i32
    %c0_i32_1 = arith.constant 0 : i32
    return %c0_i32, %c0_i32_0 : i32, i32
  }
  func.func @transform_5(%arg0: i32) -> (i32, i32) {
    %c0_i32 = arith.constant 0 : i32
    %c0_i32_0 = arith.constant 0 : i32
    %c0_i32_1 = arith.constant 0 : i32
    return %c0_i32, %c0_i32_0 : i32, i32
  }
  func.func @transform_6(%arg0: i32) -> (i32, i32) {
    %c0_i32 = arith.constant 0 : i32
    %c0_i32_0 = arith.constant 0 : i32
    %c0_i32_1 = arith.constant 0 : i32
    return %c0_i32, %c0_i32_0 : i32, i32
  }
  func.func @transform_7(%arg0: i32) -> (i32, i32) {
    %c0_i32 = arith.constant 0 : i32
    %c0_i32_0 = arith.constant 0 : i32
    return %arg0, %c0_i32 : i32, i32
  }
}

</mosaic_0001>

<sc_bundles>
// kernel: kernel.10.cloned.1.call-start
scs
__scs_entry_jumppad:
0x0: {  	(pc) =	sbr.rel $0x88, $3  }
0x1: {  	(tag) =	ssettag $0x0;
	lr =	simm.s32 $0x1  }
0x2: {  	[smem:$0x3F95] =	sst lr;
	_ =	strace $0xD0000000  }
0x3: {  	_ = 	snop  }
0x4: {  	_ = 	snop  }
0x5: {  	_ = 	snop  }
0x6: {  	_ = 	snop  }
0x7: {  	_ = 	snop  }
__scs_overlays_trampoline_lowered:
0x8: {  	[smem:$0x3FA4] =	sst s0  }
0x9: {  	[smem:$0x3FA5] =	sst s1  }
0xa: {  	[smem:$0x3FA6] =	sst s2  }
0xb: {  	[smem:$0x3FA7] =	sst s3  }
0xc: {  	[smem:$0x3FA8] =	sst s4  }
0xd: {  	[smem:$0x3FA9] =	sst s5  }
0xe: {  	[smem:$0x3FAA] =	sst s6  }
0xf: {  	[smem:$0x3FAB] =	sst s7  }
0x10: {  	[smem:$0x3FAC] =	sst s8  }
0x11: {  	[smem:$0x3FAD] =	sst s9;
	s0 =	simm.s32 @!p0 $0x0  }
0x12: {  	s1 =	sld [smem:$0x3F93];
	s0 =	simm.s32 @p0 $0x1  }
0x13: {  	[smem:$0x3FAE] =	sst s0;
	s0 =	simm.s32 @!p1 $0x0  }
0x14: {  	s2 =	sld [smem:$0x3F92];
	s0 =	simm.s32 @p1 $0x1  }
0x15: {  	[smem:$0x3FAF] =	sst s0;
	s0 =	simm.s32 @!p2 $0x0  }
0x16: {  	s3 =	sld [smem:$0x3FDB];
	s0 =	simm.s32 @p2 $0x1  }
0x17: {  	s4 =	simm.s32 $0x1BF5;
	[smem:$0x3FB1] =	sst s0  }
0x18: {  	s0 =	sld [smem:$0x3F94];
	_ =	swait.ge [sflag:s4], $0x0  }
0x19: {  	s7 =	sld [smem:$0x3F95]  }
0x1a: {  	s8 =	sadd.s32 $0xFFFFE003, lr  }
0x1b: {  	s9 =	sadd.s32 $0xFFFFFEF7, lr;
	s5 =	simm.s32 $0xFFFFFFFF;
	p2 =	slt.u32 s8, $0xFFFFF086  }
0x1c: {  	p1 =	slt.u32 s9, $0xF7A;
	s5 =	simm.s32 @!p2 $0x0  }
0x1d: {  	s5 =	simm.s32 @p1 $0x1;
	p0 =	seq.s32 s7, s2  }
0x1e: {  	s7 =	smul.u32 @!p0 $0xF7A, s2;
	p2 =	seq.s32 @!p0 s5, $0x0  }
0x1f: {  	s9 =	smul.u32 $0xF7A, s1;
	s8 =	simm.s32 @!p0 $0x1BF5;
	p2 =	por !p2, p0  }
0x20: {  	[sflag:s8] =	ssyncset.s32 @!p0 $0xFFFFF086;
	s6 =	sadd.s32 @!p0 s3, s7;
	s7 =	simm.s32 @!p0 $0x108  }
0x21: {  	s3 =	sadd.s32 s3, s9;
	s6 =	sadd.s32 @!p0 $0x88, s6;
	s7 =	simm.s32 @p2 $0x1082  }
0x22: {  	[simem:s7], [sflag:s8] =	dma.local @!p0 [hbm:s6], $0xF7A  }
0x23: {  	s9 =	sor.u32 $0xD0000000, s2;
	s6 =	simm.s32 $0x108;
	_ =	swait.ge @!p0 [sflag:s8], $0x0  }
0x24: {  	s3 =	sadd.s32 $0x88, s3;
	s6 =	simm.s32 @!p1 $0x1082;
	[sflag:s4] =	ssyncset.s32 $0xFFFFF086  }
0x25: {  	[simem:s6], [sflag:s4] =	dma.local [hbm:s3], $0xF7A  }
0x26: {  	[smem:$0x3F95] =	sst s1;
	(tag) =	ssettag s2;
	_ =	strace s9  }
0x27: {  	s1 =	sld [smem:$0x3FA5]  }
0x28: {  	s2 =	sld [smem:$0x3FA6]  }
0x29: {  	s4 =	sld [smem:$0x3FA8]  }
0x2a: {  	p0 =	seq.s32 s5, $0x0;
	s5 =	sld [smem:$0x3FA9]  }
0x2b: {  	s6 =	sld [smem:$0x3FAA]  }
0x2c: {  	s7 =	sld [smem:$0x3FAB]  }
0x2d: {  	s3 =	simm.s32 $0x108;
	s8 =	sld [smem:$0x3FAC]  }
0x2e: {  	s3 =	simm.s32 @!p0 $0x1082;
	s9 =	sld [smem:$0x3FAD]  }
0x2f: {  	lr =	sadd.s32 s0, s3;
	s0 =	sld [smem:$0x3FA4]  }
0x30: {  	s3 =	sld [smem:$0x3FA7]  }
0x31: {  	[smem:$0x3FB0] =	sst s10  }
0x32: {  	s10 =	sld [smem:$0x3FAE];
	_ =	sdelay $0x3  }
0x33: {  	p0 =	seq.s32 s10, $0x1;
	s10 =	sld [smem:$0x3FB0];
	_ =	sdelay $0x3  }
0x34: {  	[smem:$0x3FB0] =	sst s10  }
0x35: {  	s10 =	sld [smem:$0x3FAF];
	_ =	sdelay $0x3  }
0x36: {  	p1 =	seq.s32 s10, $0x1;
	s10 =	sld [smem:$0x3FB0];
	_ =	sdelay $0x3  }
0x37: {  	[smem:$0x3FB0] =	sst s10  }
0x38: {  	s10 =	sld [smem:$0x3FB1]  }
0x39: {  	_ = 	snop;
	(pc) =	sbr.ind lr, $3  }
0x3a: {  	_ = 	snop  }
0x3b: {  	_ = 	snop  }
0x3c: {  	p2 =	seq.s32 s10, $0x1;
	s10 =	sld [smem:$0x3FB0]  }
0x3d: {  	_ =	shalt  }
0x3e: {  	_ =	shalt  }
0x3f: {  	_ =	shalt  }
0x40: {  	_ =	shalt  }
0x41: {  	_ =	shalt  }
0x42: {  	_ =	shalt  }
0x43: {  	_ =	shalt  }
0x44: {  	_ =	shalt  }
0x45: {  	_ =	shalt  }
0x46: {  	_ =	shalt  }
0x47: {  	_ =	shalt  }
0x48: {  	_ =	shalt  }
0x49: {  	_ =	shalt  }
0x4a: {  	_ =	shalt  }
0x4b: {  	_ =	shalt  }
0x4c: {  	_ =	shalt  }
0x4d: {  	_ =	shalt  }
0x4e: {  	_ =	shalt  }
0x4f: {  	_ =	shalt  }
0x50: {  	_ =	shalt  }
0x51: {  	_ =	shalt  }
0x52: {  	_ =	shalt  }
0x53: {  	_ =	shalt  }
0x54: {  	_ =	shalt  }
0x55: {  	_ =	shalt  }
0x56: {  	_ =	shalt  }
0x57: {  	_ =	shalt  }
0x58: {  	_ =	shalt  }
0x59: {  	_ =	shalt  }
0x5a: {  	_ =	shalt  }
0x5b: {  	_ =	shalt  }
0x5c: {  	_ =	shalt  }
0x5d: {  	_ =	shalt  }
0x5e: {  	_ =	shalt  }
0x5f: {  	_ =	shalt  }
0x60: {  	_ =	shalt  }
0x61: {  	_ =	shalt  }
0x62: {  	_ =	shalt  }
0x63: {  	_ =	shalt  }
0x64: {  	_ =	shalt  }
0x65: {  	_ =	shalt  }
0x66: {  	_ =	shalt  }
0x67: {  	_ =	shalt  }
0x68: {  	_ =	shalt  }
0x69: {  	_ =	shalt  }
0x6a: {  	_ =	shalt  }
0x6b: {  	_ =	shalt  }
0x6c: {  	_ =	shalt  }
0x6d: {  	_ =	shalt  }
0x6e: {  	_ =	shalt  }
0x6f: {  	_ =	shalt  }
0x70: {  	_ =	shalt  }
0x71: {  	_ =	shalt  }
0x72: {  	_ =	shalt  }
0x73: {  	_ =	shalt  }
0x74: {  	_ =	shalt  }
0x75: {  	_ =	shalt  }
0x76: {  	_ =	shalt  }
0x77: {  	_ =	shalt  }
0x78: {  	_ =	shalt  }
0x79: {  	_ =	shalt  }
0x7a: {  	_ =	shalt  }
0x7b: {  	_ =	shalt  }
0x7c: {  	_ =	shalt  }
0x7d: {  	_ =	shalt  }
0x7e: {  	_ =	shalt  }
0x7f: {  	_ =	shalt  }
0x80: {  	_ =	shalt  }
0x81: {  	_ =	shalt  }
0x82: {  	_ =	shalt  }
0x83: {  	_ =	shalt  }
0x84: {  	_ =	shalt  }
0x85: {  	_ =	shalt  }
0x86: {  	_ =	shalt  }
0x87: {  	_ =	shalt  }
.Lfunc_end0:
.L_simem_size_0:
called_computation.1_lowered:
.L_overlay_start_0:
0x88: {  	s2 =	sld [smem:$0x3FD9]  }
0x89: {  	s3 =	sld [smem:$0x3FFE];
	_ =	sdelay $0x1  }
0x8a: {  	s1 =	srdreg.scid  }
0x8b: {  	s0 =	sand.u32 $0x1, s1  }
0x8c: {  	s16 =	sshll.u32 s0, $0xA;
	s2 =	sadd.s32 s3, s2  }
0x8d: {  	s2 =	sadd.s32 s2, s16  }
0x8e: {  	[smem:$0x3FBC] =	sst s2  }
0x8f: {  	_ = 	snop  }
0x90: {  	(tm) =	ssettm $0x1  }
0x91: {  	s17 =	sld [smem:$0x3FFB];
	_ =	sdelay $0x3  }
0x92: {  	_ =	strace s17  }
0x93: {  	s2 =	sld [smem:$0x3FFC];
	_ =	sdelay $0x3  }
0x94: {  	_ =	strace s2  }
0x95: {  	s2 =	sld [smem:$0x3FFD];
	_ =	sdelay $0x3  }
0x96: {  	_ =	strace s2  }
0x97: {  	_ =	strace $0x8FFFFFFF  }
0x98: {  	s18 =	sld [smem:$0x3FDB];
	_ =	sdelay $0x1  }
0x99: {  	s19 =	simm.s32 $_scs_section_size  }
0x9a: {  	s4 =	simm.s32 $_size__tile_overlayer_lowered;
	s5 =	simm.s32 $_tile_overlayer_lowered  }
0x9b: {  	s22 =	simm.s32 $0x1BFF;
	s21 =	sshll.u32 s5, $0x1;
	s2 =	sadd.s32 s19, s18  }
0x9c: {  	s6 =	simm.s32 $0x0;
	s20 =	sshll.u32 s4, $0x1;
	s4 =	sadd.s32 s21, s2  }
0x9d: {  	[timem:s6], [sflag:s22] =	dma.local [hbm:s4], s20  }
0x9e: {  	_ =	swait.ge [sflag:s22], s20  }
0x9f: {  	s3 =	ssub.s32 $0x0, s20;
	[sflag:s22] =	ssyncset.done $0x0  }
0xa0: {  	[sflag:s22] =	ssyncadd.s32 s3;
	_ =	sdelay $0x1  }
0xa1: {  	s23 =	simm.s32 $0x1B8B  }
0xa2: {  	_ =	swait.ge [sflag:s23], $0x1  }
0xa3: {  	[sflag:s23] =	ssyncset.done $0x0  }
0xa4: {  	s25 =	simm.s32 $0x1B8E;
	s24 =	sld [smem:$0x3FFE];
	[sflag:s23] =	ssyncadd.s32 $0xFFFFFFFF  }
0xa5: {  	s26 =	simm.s32 $execute0_lowered;
	[smem:$0x3FD2] =	sst s25  }
0xa6: {  	s4 =	sshll.u32 s26, $0x1;
	_ =	strace $0x80000049;
	[dreg:$0x1] =	wrdreg $0xFFFFFFFF  }
0xa7: {  	s28 =	simm.s32 $_size_execute0_lowered;
	s2 =	sadd.s32 s2, s4;
	[dreg:$0x0] =	wrdreg $0x0  }
0xa8: {  	s4 =	sshll.u32 s28, $0x1;
	[dreg:$0x2] =	wrdreg s2  }
0xa9: {  	[dreg:$0x3] =	wrdreg s4  }
0xaa: {  	[dreg:$0x4] =	wrdreg $0xC0  }
0xab: {  	_ =	task [dreg:s6], $0x5FFFF  }
0xac: {  	[dreg:$0x1] =	wrdreg $0xFFFFFFFF  }
0xad: {  	[dreg:$0x0] =	wrdreg $0x60  }
0xae: {  	[dreg:$0x2] =	wrdreg s24  }
0xaf: {  	[dreg:$0x3] =	wrdreg $0xA8000  }
0xb0: {  	[dreg:$0x4] =	wrdreg $0x9  }
0xb1: {  	_ =	task.clear_ibuf [dreg:s6], $0x5FFFF;
	_ =	strace $0x90000049  }
0xb2: {  	s29 =	simm.s32 $0x9;
	_ =	strace $0x8000004B  }
0xb3: {  	_ =	swait.ge [sflag:s29], $0x1  }
0xb4: {  	[sflag:s29] =	ssyncadd.s32 $0xFFFFFFFF  }
0xb5: {  	_ =	strace $0x9000004B  }
0xb6: {  	_ =	sfence  }
0xb7: {  	s30 =	sld [smem:$0x0];
	_ =	sdelay $0x2  }
0xb8: {  	s31 =	sshll.u32 s1, $0xD;
	s1 =	sshrl.u32 s1, $0x2  }
0xb9: {  	s3 =	sand.u32 $0x4000, s31;
	s1 =	sadd.s32 s1, s30  }
0xba: {  	s0 =	sor.u32 s3, s0;
	s1 =	sshll.u32 s1, $0x11  }
0xbb: {  	s0 =	sor.u32 s1, s0  }
0xbc: {  	s0 =	sadd.s32 $0x8F2B, s0  }
0xbd: {  	[sflag:s0] =	ssyncadd.remote.s32 $0x1  }
0xbe: {  	_ =	sfence.sel $0xFFFF  }
0xbf: {  	[dreg:$0x0] =	wrdreg $0xFFFFFFFF;
	(pc) =	sbr.abs _section_cstart, $3  }
0xc0: {  	[dreg:$0x1] =	wrdreg $0xFFFFFFFF  }
0xc1: {  	_ =	task.clear_ibuf [dreg:s6], $0x2FFFF;
	_ =	strace $0x9FFFFFFF  }
0xc2: {  	(tm) =	ssettm $0x7FFFFFFF  }
0xc3: {  	_ =	shalt  }
tec
execute0_lowered:
.L_overlay_start_1:
0x0: {  	(tag) =	ssettag $0x1  }
0x1: {  	s5 =	rddreg [dreg:$0x0]  }
0x2: {  	s2 =	rddreg [dreg:$0x1]  }
0x3: {  	s0 =	rddreg [dreg:$0x2]  }
0x4: {  	s3 =	simm.s32 $0x0;
	s1 =	stileid.u32;
	s4 =	srdreg.scid  }
0x5: {  	s17 =	simm.s32 $0x80;
	s18 =	simm.s32 $0x2800;
	s19 =	simm.s32 $0x6800  }
0x6: {  	s20 =	simm.s32 $0x3;
	s21 =	simm.s32 $0x1;
	s22 =	simm.s32 $0x2  }
0x7: {  	s23 =	simm.s32 $0x2700;
	s24 =	simm.s32 $0x2780;
	s6 =	smul.u32 $0x13C00, s1  }
0x8: {  	[smem:$0x7FF] =	sst s3;
	s7 =	sand.u32 $0x1, s4;
	s9 =	smul.u32 $0x4F000, s1  }
0x9: {  	s4 =	sadd.s32 $0x16200, s5;
	s10 =	sadd.s32 $0x2200, s5;
	s13 =	smul.u32 $0x2800, s1  }
0xa: {  	s11 =	sadd.s32 $0xC200, s5;
	_ =	strace $0x8000004A;
	s8 =	smul.u32 $0x13C000, s7  }
0xb: {  	s25 =	smul.u32 $0x28000, s7;
	s7 =	ssub.s32 $0x2, s7;
	s12 =	sshrl.u32 s6, $0x3  }
0xc: {  	s26 =	sshrl.u32 s7, $0x1;
	s28 =	sshrl.u32 s9, $0x2;
	s6 =	sadd.s32 s6, s8  }
0xd: {  	s12 =	sadd.s32 s12, s5;
	s15 =	ssub.s32 s7, s26;
	s29 =	sadd.s32 s13, s25  }
0xe: {  	s16 =	sadd.s32 s28, s2;
	s25 =	simm.s32 $0x0;
	s6 =	sshrl.u32 s6, $0x3  }
0xf: {  	s30 =	sshrl.u32 s29, $0x3;
	s13 =	smax.u32 s15, $0x1;
	s15 =	simm.s32 $0x4  }
0x10: {  	s14 =	sadd.s32 s6, s5;
	s5 =	sshll.u32 s1, $0x6;
	s6 =	sadd.s32 $0x3D400, s12  }
0x11: {  	s31 =	sadd.s32 $0x280, s30;
	s8 =	sadd.s32 s10, s30;
	s9 =	sadd.s32 s11, s30  }
0x12: {  	s7 =	sor.u32 $0x1C03, s5;
	s10 =	sadd.s32 s10, s31;
	s11 =	sadd.s32 s11, s31  }
0x13: {  	s12 =	sadd.s32 $0x64C00, s14;
	s14 =	sshrl.u32 s16, $0x3;
	s16 =	simm.s32 $0x1400  }
.LBB2_1:
0x14: {  	[spmem:s14], [sflag:s7] =	dma.local [hbm:s6], $0x2780  }
0x15: {  	[tilespmem:s3], [sflag:$0x4] =	stream.linear.gather [hbm4b:s8+s3], $0x1400, $0x38;
	[tilespmem:$0x1E400] =	vst v63  }
0x16: {  	_ =	swait.ge [sflag:s15], $0x1400  }
0x17: {  	[sflag:s15] =	ssyncset.done $0x0  }
0x18: {  	[sflag:s15] =	ssyncadd.s32 $0xFFFFEC00  }
0x19: {  	[tilespmem:s16], [sflag:$0x4] =	stream.linear.gather [hbm4b:s9+s3], $0x1400, $0x38;
	[tilespmem:$0x1E400] =	vst v63  }
0x1a: {  	_ =	swait.ge [sflag:s15], $0x1400  }
0x1b: {  	[sflag:s15] =	ssyncset.done $0x0  }
0x1c: {  	[sflag:s15] =	ssyncadd.s32 $0xFFFFEC00  }
0x1d: {  	[tilespmem:s18], [sflag:$0x1] =	stream.indirect.gather [hbm4b:s4+s17], $0x80, s3, s17, $0xb8;
	[tilespmem:$0x1E400] =	vst v63  }
0x1e: {  	_ = 	snop  }
0x1f: {  	[tilespmem:s19], [sflag:$0x2] =	stream.indirect.gather [hbm4b:s4+s17], $0x80, s17, s17, $0xb8;
	[tilespmem:$0x1E400] =	vst v63  }
0x20: {  	_ =	swait.ge [sflag:s20], $0x2780  }
0x21: {  	[sflag:s20] =	ssyncset.done $0x0  }
0x22: {  	[sflag:s20] =	ssyncadd.s32 $0xFFFFD880  }
0x23: {  	[bflag:$0x0] =	sbarrier.arrive $0xFFFF  }
0x24: {  	_ =	swait.ge [sflag:s21], $0x4000  }
0x25: {  	[sflag:s21] =	ssyncset.done $0x0  }
0x26: {  	s26 =	simm.s32 $0x1400;
	[sflag:s21] =	ssyncadd.s32 $0xFFFFC000  }
0x27: {  	[spmem:s2] =	stream.indirect.scatter.add.f32 [tilespmem:s18], [sflag:$0x4], $0x80, s26, s17, $0xb8;
	[tilespmem:$0x1E400] =	vst v63  }
0x28: {  	_ =	swait.ge [sflag:s15], $0x4000  }
0x29: {  	[sflag:s15] =	ssyncset.done $0x0  }
0x2a: {  	s30 =	simm.s32 $0x100;
	[sflag:s15] =	ssyncadd.s32 $0xFFFFC000  }
0x2b: {  	[tilespmem:s18], [sflag:$0x1] =	stream.indirect.gather [hbm4b:s4+s17], $0x80, s30, s17, $0xb8;
	[tilespmem:$0x1E400] =	vst v63  }
0x2c: {  	_ =	swait.ge [sflag:s22], $0x4000  }
0x2d: {  	[sflag:s22] =	ssyncset.done $0x0  }
0x2e: {  	s31 =	simm.s32 $0x1480;
	[sflag:s22] =	ssyncadd.s32 $0xFFFFC000  }
0x2f: {  	[spmem:s2] =	stream.indirect.scatter.add.f32 [tilespmem:s19], [sflag:$0x4], $0x80, s31, s17, $0xb8;
	[tilespmem:$0x1E400] =	vst v63  }
0x30: {  	_ =	swait.ge [sflag:s15], $0x4000  }
0x31: {  	[sflag:s15] =	ssyncset.done $0x0  }
0x32: {  	s28 =	simm.s32 $0x180;
	s26 =	simm.s32 $0x400;
	[sflag:s15] =	ssyncadd.s32 $0xFFFFC000  }
.LBB2_2:
0x33: {  	[tilespmem:s19], [sflag:$0x2] =	stream.indirect.gather [hbm4b:s4+s17], $0x80, s28, s17, $0xb8;
	[tilespmem:$0x1E400] =	vst v63  }
0x34: {  	s28 =	smov.u32 s26  }
0x35: {  	p0 =	sne.s32 s26, $0x4800;
	s26 =	sadd.s32 $0x400, s26;
	_ =	swait.ge [sflag:s21], $0x4000  }
0x36: {  	s28 =	sshra.s32 s28, $0x2;
	[sflag:s21] =	ssyncset.done $0x0  }
0x37: {  	s29 =	sadd.s32 $0x1400, s28;
	[sflag:s21] =	ssyncadd.s32 $0xFFFFC000  }
0x38: {  	[spmem:s2] =	stream.indirect.scatter.add.f32 [tilespmem:s18], [sflag:$0x4], $0x80, s29, s17, $0xb8;
	[tilespmem:$0x1E400] =	vst v63  }
0x39: {  	_ =	swait.ge [sflag:s15], $0x4000  }
0x3a: {  	[sflag:s15] =	ssyncset.done $0x0  }
0x3b: {  	s29 =	sadd.s32 $0x100, s28;
	[sflag:s15] =	ssyncadd.s32 $0xFFFFC000  }
0x3c: {  	[tilespmem:s18], [sflag:$0x1] =	stream.indirect.gather [hbm4b:s4+s17], $0x80, s29, s17, $0xb8;
	[tilespmem:$0x1E400] =	vst v63  }
0x3d: {  	_ =	swait.ge [sflag:s22], $0x4000  }
0x3e: {  	[sflag:s22] =	ssyncset.done $0x0  }
.Ltmp0:
0x3f: {  	s29 =	sadd.s32 $0x1480, s28;
	[sflag:s22] =	ssyncadd.s32 $0xFFFFC000;
	(pc) =	sbr.rel @p0 .LBB2_2-.Ltmp0, $4  }
0x40: {  	[spmem:s2] =	stream.indirect.scatter.add.f32 [tilespmem:s19], [sflag:$0x4], $0x80, s29, s17, $0xb8;
	[tilespmem:$0x1E400] =	vst v63  }
0x41: {  	_ =	swait.ge [sflag:s15], $0x4000  }
0x42: {  	[sflag:s15] =	ssyncset.done $0x0  }
0x43: {  	s28 =	sadd.s32 $0x180, s28;
	[sflag:s15] =	ssyncadd.s32 $0xFFFFC000  }
0x44: {  	[tilespmem:s19], [sflag:$0x2] =	stream.indirect.gather [hbm4b:s4+s17], $0x80, s28, s17, $0xb8;
	[tilespmem:$0x1E400] =	vst v63  }
0x45: {  	_ =	swait.ge [sflag:s21], $0x4000  }
0x46: {  	[sflag:s21] =	ssyncset.done $0x0  }
0x47: {  	[sflag:s21] =	ssyncadd.s32 $0xFFFFC000  }
0x48: {  	[spmem:s2] =	stream.indirect.scatter.add.f32 [tilespmem:s18], [sflag:$0x4], $0x80, s23, s17, $0xb8;
	[tilespmem:$0x1E400] =	vst v63  }
0x49: {  	_ =	swait.ge [sflag:s15], $0x4000  }
0x4a: {  	[sflag:s15] =	ssyncset.done $0x0  }
0x4b: {  	[sflag:s15] =	ssyncadd.s32 $0xFFFFC000  }
0x4c: {  	_ =	swait.ge [sflag:s22], $0x4000  }
0x4d: {  	[sflag:s22] =	ssyncset.done $0x0  }
0x4e: {  	[sflag:s22] =	ssyncadd.s32 $0xFFFFC000  }
0x4f: {  	[spmem:s2] =	stream.indirect.scatter.add.f32 [tilespmem:s19], [sflag:$0x4], $0x80, s24, s17, $0xb8;
	[tilespmem:$0x1E400] =	vst v63  }
0x50: {  	_ =	swait.ge [sflag:s15], $0x4000  }
0x51: {  	[sflag:s15] =	ssyncset.done $0x0  }
0x52: {  	s26 =	simm.s32 $0x0;
	[sflag:s15] =	ssyncadd.s32 $0xFFFFC000  }
0x53: {  	[tilespmem:s26], [sflag:$0x4] =	stream.linear.gather [hbm4b:s10+s26], $0x1400, $0x38;
	[tilespmem:$0x1E400] =	vst v63  }
0x54: {  	_ =	swait.ge [sflag:s15], $0x1400  }
0x55: {  	[sflag:s15] =	ssyncset.done $0x0  }
0x56: {  	[sflag:s15] =	ssyncadd.s32 $0xFFFFEC00  }
0x57: {  	[tilespmem:s16], [sflag:$0x4] =	stream.linear.gather [hbm4b:s11+s26], $0x1400, $0x38;
	[tilespmem:$0x1E400] =	vst v63  }
0x58: {  	_ =	swait.ge [sflag:s15], $0x1400  }
0x59: {  	[sflag:s15] =	ssyncset.done $0x0  }
0x5a: {  	[sflag:s15] =	ssyncadd.s32 $0xFFFFEC00  }
0x5b: {  	[tilespmem:s18], [sflag:$0x1] =	stream.indirect.gather [hbm4b:s4+s17], $0x80, s26, s17, $0xb8;
	[tilespmem:$0x1E400] =	vst v63  }
0x5c: {  	_ = 	snop  }
0x5d: {  	[tilespmem:s19], [sflag:$0x2] =	stream.indirect.gather [hbm4b:s4+s17], $0x80, s17, s17, $0xb8;
	[tilespmem:$0x1E400] =	vst v63  }
0x5e: {  	_ =	swait.ge [sflag:s21], $0x4000  }
0x5f: {  	[sflag:s21] =	ssyncset.done $0x0  }
0x60: {  	s29 =	simm.s32 $0x1400;
	[sflag:s21] =	ssyncadd.s32 $0xFFFFC000  }
0x61: {  	[spmem:s2] =	stream.indirect.scatter.add.f32 [tilespmem:s18], [sflag:$0x4], $0x80, s29, s17, $0xb8;
	[tilespmem:$0x1E400] =	vst v63  }
0x62: {  	_ =	swait.ge [sflag:s15], $0x4000  }
0x63: {  	[sflag:s15] =	ssyncset.done $0x0  }
0x64: {  	s30 =	simm.s32 $0x100;
	[sflag:s15] =	ssyncadd.s32 $0xFFFFC000  }
0x65: {  	[tilespmem:s18], [sflag:$0x1] =	stream.indirect.gather [hbm4b:s4+s17], $0x80, s30, s17, $0xb8;
	[tilespmem:$0x1E400] =	vst v63  }
0x66: {  	_ =	swait.ge [sflag:s22], $0x4000  }
0x67: {  	[sflag:s22] =	ssyncset.done $0x0  }
0x68: {  	s31 =	simm.s32 $0x1480;
	[sflag:s22] =	ssyncadd.s32 $0xFFFFC000  }
0x69: {  	[spmem:s2] =	stream.indirect.scatter.add.f32 [tilespmem:s19], [sflag:$0x4], $0x80, s31, s17, $0xb8;
	[tilespmem:$0x1E400] =	vst v63  }
0x6a: {  	_ =	swait.ge [sflag:s15], $0x4000  }
0x6b: {  	[sflag:s15] =	ssyncset.done $0x0  }
0x6c: {  	s28 =	simm.s32 $0x180;
	s26 =	simm.s32 $0x400;
	[sflag:s15] =	ssyncadd.s32 $0xFFFFC000  }
.LBB2_4:
0x6d: {  	[tilespmem:s19], [sflag:$0x2] =	stream.indirect.gather [hbm4b:s4+s17], $0x80, s28, s17, $0xb8;
	[tilespmem:$0x1E400] =	vst v63  }
0x6e: {  	s28 =	smov.u32 s26  }
0x6f: {  	p0 =	sne.s32 s26, $0x4800;
	s26 =	sadd.s32 $0x400, s26;
	_ =	swait.ge [sflag:s21], $0x4000  }
0x70: {  	s28 =	sshra.s32 s28, $0x2;
	[sflag:s21] =	ssyncset.done $0x0  }
0x71: {  	s29 =	sadd.s32 $0x1400, s28;
	[sflag:s21] =	ssyncadd.s32 $0xFFFFC000  }
0x72: {  	[spmem:s2] =	stream.indirect.scatter.add.f32 [tilespmem:s18], [sflag:$0x4], $0x80, s29, s17, $0xb8;
	[tilespmem:$0x1E400] =	vst v63  }
0x73: {  	_ =	swait.ge [sflag:s15], $0x4000  }
0x74: {  	[sflag:s15] =	ssyncset.done $0x0  }
0x75: {  	s29 =	sadd.s32 $0x100, s28;
	[sflag:s15] =	ssyncadd.s32 $0xFFFFC000  }
0x76: {  	[tilespmem:s18], [sflag:$0x1] =	stream.indirect.gather [hbm4b:s4+s17], $0x80, s29, s17, $0xb8;
	[tilespmem:$0x1E400] =	vst v63  }
0x77: {  	_ =	swait.ge [sflag:s22], $0x4000  }
0x78: {  	[sflag:s22] =	ssyncset.done $0x0  }
.Ltmp1:
0x79: {  	s29 =	sadd.s32 $0x1480, s28;
	[sflag:s22] =	ssyncadd.s32 $0xFFFFC000;
	(pc) =	sbr.rel @p0 .LBB2_4-.Ltmp1, $4  }
0x7a: {  	[spmem:s2] =	stream.indirect.scatter.add.f32 [tilespmem:s19], [sflag:$0x4], $0x80, s29, s17, $0xb8;
	[tilespmem:$0x1E400] =	vst v63  }
0x7b: {  	_ =	swait.ge [sflag:s15], $0x4000  }
0x7c: {  	[sflag:s15] =	ssyncset.done $0x0  }
0x7d: {  	s28 =	sadd.s32 $0x180, s28;
	[sflag:s15] =	ssyncadd.s32 $0xFFFFC000  }
0x7e: {  	[tilespmem:s19], [sflag:$0x2] =	stream.indirect.gather [hbm4b:s4+s17], $0x80, s28, s17, $0xb8;
	[tilespmem:$0x1E400] =	vst v63  }
0x7f: {  	_ =	swait.ge [sflag:s21], $0x4000  }
0x80: {  	[sflag:s21] =	ssyncset.done $0x0  }
0x81: {  	[sflag:s21] =	ssyncadd.s32 $0xFFFFC000  }
0x82: {  	[spmem:s2] =	stream.indirect.scatter.add.f32 [tilespmem:s18], [sflag:$0x4], $0x80, s23, s17, $0xb8;
	[tilespmem:$0x1E400] =	vst v63  }
0x83: {  	_ =	swait.ge [sflag:s15], $0x4000  }
0x84: {  	[sflag:s15] =	ssyncset.done $0x0  }
0x85: {  	[sflag:s15] =	ssyncadd.s32 $0xFFFFC000  }
0x86: {  	_ =	swait.ge [sflag:s22], $0x4000  }
0x87: {  	[sflag:s22] =	ssyncset.done $0x0  }
0x88: {  	[sflag:s22] =	ssyncadd.s32 $0xFFFFC000  }
0x89: {  	[spmem:s2] =	stream.indirect.scatter.add.f32 [tilespmem:s19], [sflag:$0x4], $0x80, s24, s17, $0xb8;
	[tilespmem:$0x1E400] =	vst v63  }
0x8a: {  	_ =	swait.ge [sflag:s15], $0x4000  }
0x8b: {  	s25 =	sadd.s32 $0x1, s25;
	[sflag:s15] =	ssyncset.done $0x0  }
0x8c: {  	p0 =	sne.s32 s25, s13;
	[sflag:s15] =	ssyncadd.s32 $0xFFFFC000  }
.Ltmp2:
0x8d: {  	s26 =	sor.u32 $0x1C04, s5;
	[bflag:$0x0] =	sbarrier.arrive $0xFFFF;
	(pc) =	sbr.rel @p0 .LBB2_1-.Ltmp2, $4  }
0x8e: {  	[hbm:s12], [sflag:s26] =	dma.local [spmem:s14], $0x2780  }
0x8f: {  	_ =	swait.ge [sflag:s15], $0x2780  }
0x90: {  	[sflag:s15] =	ssyncset.done $0x0  }
0x91: {  	[sflag:s15] =	ssyncadd.s32 $0xFFFFD880  }
0x92: {  	_ =	sfence.sel $0x180000  }
0x93: {  	[bflag:$0x0] =	sbarrier.arrive $0xFFFF  }
0x94: {  	p0 =	sne.s32 s1, $0x0;
	_ =	strace $0x9000004A  }
0x95: {  	s0 =	sadd.s32 @!p0 $0x100000, s0;
	[bflag:$0x2] =	sbarrier.arrive $0xFFFF  }
0x96: {  	[sflag:s0] =	ssyncadd.tile.s32 @!p0 $0x1;
	_ =	shalt  }
.Lfunc_end2:
_tile_overlayer_lowered:
.L_overlay_start_2:
0x97: {  	(tag) =	ssettag $0x2  }
0x98: {  	s0 =	rddreg [dreg:$0x0];
	s2 =	stileid.u32  }
0x99: {  	s1 =	rddreg [dreg:$0x1];
	p0 =	sne.s32 s2, $0x0  }
0x9a: {  	s3 =	rddreg [dreg:$0x2];
	[bflag:$0x3] =	sbarrier.arrive $0xFFFF;
	s2 =	simm.s32 @!p0 $0x1C04  }
0x9b: {  	[timem:s3], [sflag:s2] =	dma.local @!p0 [hbm:s0], s1  }
0x9c: {  	s0 =	simm.s32 @!p0 $0x4  }
0x9d: {  	_ =	swait.ge @!p0 [sflag:s0], s1  }
0x9e: {  	s1 =	ssub.s32 @!p0 $0x0, s1;
	[sflag:s0] =	ssyncset.done @!p0 $0x0  }
0x9f: {  	[sflag:s0] =	ssyncadd.s32 @!p0 s1  }
0xa0: {  	[bflag:$0x3] =	sbarrier.arrive $0xFFFF  }
0xa1: {  	_ =	shalt  }

// kernel: kernel.7.cloned.1.call-start
scs
__scs_entry_jumppad:
0x0: {  	(pc) =	sbr.rel $0x88, $3  }
0x1: {  	(tag) =	ssettag $0x0;
	lr =	simm.s32 $0x1  }
0x2: {  	[smem:$0x3F95] =	sst lr;
	_ =	strace $0xD0000000  }
0x3: {  	_ = 	snop  }
0x4: {  	_ = 	snop  }
0x5: {  	_ = 	snop  }
0x6: {  	_ = 	snop  }
0x7: {  	_ = 	snop  }
__scs_overlays_trampoline_lowered:
0x8: {  	[smem:$0x3FA4] =	sst s0  }
0x9: {  	[smem:$0x3FA5] =	sst s1  }
0xa: {  	[smem:$0x3FA6] =	sst s2  }
0xb: {  	[smem:$0x3FA7] =	sst s3  }
0xc: {  	[smem:$0x3FA8] =	sst s4  }
0xd: {  	[smem:$0x3FA9] =	sst s5  }
0xe: {  	[smem:$0x3FAA] =	sst s6  }
0xf: {  	[smem:$0x3FAB] =	sst s7  }
0x10: {  	[smem:$0x3FAC] =	sst s8  }
0x11: {  	[smem:$0x3FAD] =	sst s9;
	s0 =	simm.s32 @!p0 $0x0  }
0x12: {  	s1 =	sld [smem:$0x3F93];
	s0 =	simm.s32 @p0 $0x1  }
0x13: {  	[smem:$0x3FAE] =	sst s0;
	s0 =	simm.s32 @!p1 $0x0  }
0x14: {  	s2 =	sld [smem:$0x3F92];
	s0 =	simm.s32 @p1 $0x1  }
0x15: {  	[smem:$0x3FAF] =	sst s0;
	s0 =	simm.s32 @!p2 $0x0  }
0x16: {  	s3 =	sld [smem:$0x3FDB];
	s0 =	simm.s32 @p2 $0x1  }
0x17: {  	s4 =	simm.s32 $0x1BF5;
	[smem:$0x3FB1] =	sst s0  }
0x18: {  	s0 =	sld [smem:$0x3F94];
	_ =	swait.ge [sflag:s4], $0x0  }
0x19: {  	s7 =	sld [smem:$0x3F95]  }
0x1a: {  	s8 =	sadd.s32 $0xFFFFE003, lr  }
0x1b: {  	s9 =	sadd.s32 $0xFFFFFEF7, lr;
	s5 =	simm.s32 $0xFFFFFFFF;
	p2 =	slt.u32 s8, $0xFFFFF086  }
0x1c: {  	p1 =	slt.u32 s9, $0xF7A;
	s5 =	simm.s32 @!p2 $0x0  }
0x1d: {  	s5 =	simm.s32 @p1 $0x1;
	p0 =	seq.s32 s7, s2  }
0x1e: {  	s7 =	smul.u32 @!p0 $0xF7A, s2;
	p2 =	seq.s32 @!p0 s5, $0x0  }
0x1f: {  	s9 =	smul.u32 $0xF7A, s1;
	s8 =	simm.s32 @!p0 $0x1BF5;
	p2 =	por !p2, p0  }
0x20: {  	[sflag:s8] =	ssyncset.s32 @!p0 $0xFFFFF086;
	s6 =	sadd.s32 @!p0 s3, s7;
	s7 =	simm.s32 @!p0 $0x108  }
0x21: {  	s3 =	sadd.s32 s3, s9;
	s6 =	sadd.s32 @!p0 $0x88, s6;
	s7 =	simm.s32 @p2 $0x1082  }
0x22: {  	[simem:s7], [sflag:s8] =	dma.local @!p0 [hbm:s6], $0xF7A  }
0x23: {  	s9 =	sor.u32 $0xD0000000, s2;
	s6 =	simm.s32 $0x108;
	_ =	swait.ge @!p0 [sflag:s8], $0x0  }
0x24: {  	s3 =	sadd.s32 $0x88, s3;
	s6 =	simm.s32 @!p1 $0x1082;
	[sflag:s4] =	ssyncset.s32 $0xFFFFF086  }
0x25: {  	[simem:s6], [sflag:s4] =	dma.local [hbm:s3], $0xF7A  }
0x26: {  	[smem:$0x3F95] =	sst s1;
	(tag) =	ssettag s2;
	_ =	strace s9  }
0x27: {  	s1 =	sld [smem:$0x3FA5]  }
0x28: {  	s2 =	sld [smem:$0x3FA6]  }
0x29: {  	s4 =	sld [smem:$0x3FA8]  }
0x2a: {  	p0 =	seq.s32 s5, $0x0;
	s5 =	sld [smem:$0x3FA9]  }
0x2b: {  	s6 =	sld [smem:$0x3FAA]  }
0x2c: {  	s7 =	sld [smem:$0x3FAB]  }
0x2d: {  	s3 =	simm.s32 $0x108;
	s8 =	sld [smem:$0x3FAC]  }
0x2e: {  	s3 =	simm.s32 @!p0 $0x1082;
	s9 =	sld [smem:$0x3FAD]  }
0x2f: {  	lr =	sadd.s32 s0, s3;
	s0 =	sld [smem:$0x3FA4]  }
0x30: {  	s3 =	sld [smem:$0x3FA7]  }
0x31: {  	[smem:$0x3FB0] =	sst s10  }
0x32: {  	s10 =	sld [smem:$0x3FAE];
	_ =	sdelay $0x3  }
0x33: {  	p0 =	seq.s32 s10, $0x1;
	s10 =	sld [smem:$0x3FB0];
	_ =	sdelay $0x3  }
0x34: {  	[smem:$0x3FB0] =	sst s10  }
0x35: {  	s10 =	sld [smem:$0x3FAF];
	_ =	sdelay $0x3  }
0x36: {  	p1 =	seq.s32 s10, $0x1;
	s10 =	sld [smem:$0x3FB0];
	_ =	sdelay $0x3  }
0x37: {  	[smem:$0x3FB0] =	sst s10  }
0x38: {  	s10 =	sld [smem:$0x3FB1]  }
0x39: {  	_ = 	snop;
	(pc) =	sbr.ind lr, $3  }
0x3a: {  	_ = 	snop  }
0x3b: {  	_ = 	snop  }
0x3c: {  	p2 =	seq.s32 s10, $0x1;
	s10 =	sld [smem:$0x3FB0]  }
0x3d: {  	_ =	shalt  }
0x3e: {  	_ =	shalt  }
0x3f: {  	_ =	shalt  }
0x40: {  	_ =	shalt  }
0x41: {  	_ =	shalt  }
0x42: {  	_ =	shalt  }
0x43: {  	_ =	shalt  }
0x44: {  	_ =	shalt  }
0x45: {  	_ =	shalt  }
0x46: {  	_ =	shalt  }
0x47: {  	_ =	shalt  }
0x48: {  	_ =	shalt  }
0x49: {  	_ =	shalt  }
0x4a: {  	_ =	shalt  }
0x4b: {  	_ =	shalt  }
0x4c: {  	_ =	shalt  }
0x4d: {  	_ =	shalt  }
0x4e: {  	_ =	shalt  }
0x4f: {  	_ =	shalt  }
0x50: {  	_ =	shalt  }
0x51: {  	_ =	shalt  }
0x52: {  	_ =	shalt  }
0x53: {  	_ =	shalt  }
0x54: {  	_ =	shalt  }
0x55: {  	_ =	shalt  }
0x56: {  	_ =	shalt  }
0x57: {  	_ =	shalt  }
0x58: {  	_ =	shalt  }
0x59: {  	_ =	shalt  }
0x5a: {  	_ =	shalt  }
0x5b: {  	_ =	shalt  }
0x5c: {  	_ =	shalt  }
0x5d: {  	_ =	shalt  }
0x5e: {  	_ =	shalt  }
0x5f: {  	_ =	shalt  }
0x60: {  	_ =	shalt  }
0x61: {  	_ =	shalt  }
0x62: {  	_ =	shalt  }
0x63: {  	_ =	shalt  }
0x64: {  	_ =	shalt  }
0x65: {  	_ =	shalt  }
0x66: {  	_ =	shalt  }
0x67: {  	_ =	shalt  }
0x68: {  	_ =	shalt  }
0x69: {  	_ =	shalt  }
0x6a: {  	_ =	shalt  }
0x6b: {  	_ =	shalt  }
0x6c: {  	_ =	shalt  }
0x6d: {  	_ =	shalt  }
0x6e: {  	_ =	shalt  }
0x6f: {  	_ =	shalt  }
0x70: {  	_ =	shalt  }
0x71: {  	_ =	shalt  }
0x72: {  	_ =	shalt  }
0x73: {  	_ =	shalt  }
0x74: {  	_ =	shalt  }
0x75: {  	_ =	shalt  }
0x76: {  	_ =	shalt  }
0x77: {  	_ =	shalt  }
0x78: {  	_ =	shalt  }
0x79: {  	_ =	shalt  }
0x7a: {  	_ =	shalt  }
0x7b: {  	_ =	shalt  }
0x7c: {  	_ =	shalt  }
0x7d: {  	_ =	shalt  }
0x7e: {  	_ =	shalt  }
0x7f: {  	_ =	shalt  }
0x80: {  	_ =	shalt  }
0x81: {  	_ =	shalt  }
0x82: {  	_ =	shalt  }
0x83: {  	_ =	shalt  }
0x84: {  	_ =	shalt  }
0x85: {  	_ =	shalt  }
0x86: {  	_ =	shalt  }
0x87: {  	_ =	shalt  }
.Lfunc_end0:
.L_simem_size_0:
called_computation_lowered:
.L_overlay_start_0:
0x88: {  	s2 =	sld [smem:$0x3FD9]  }
0x89: {  	s3 =	sld [smem:$0x3FFE];
	_ =	sdelay $0x1  }
0x8a: {  	s1 =	srdreg.scid  }
0x8b: {  	s0 =	sand.u32 $0x1, s1  }
0x8c: {  	s16 =	sshll.u32 s0, $0xA;
	s2 =	sadd.s32 s3, s2  }
0x8d: {  	s2 =	sadd.s32 s2, s16  }
0x8e: {  	[smem:$0x3FBC] =	sst s2  }
0x8f: {  	_ = 	snop  }
0x90: {  	(tm) =	ssettm $0x1  }
0x91: {  	s17 =	sld [smem:$0x3FFB];
	_ =	sdelay $0x3  }
0x92: {  	_ =	strace s17  }
0x93: {  	s2 =	sld [smem:$0x3FFC];
	_ =	sdelay $0x3  }
0x94: {  	_ =	strace s2  }
0x95: {  	s2 =	sld [smem:$0x3FFD];
	_ =	sdelay $0x3  }
0x96: {  	_ =	strace s2  }
0x97: {  	_ =	strace $0x8FFFFFFF  }
0x98: {  	s18 =	sld [smem:$0x3FDB];
	_ =	sdelay $0x1  }
0x99: {  	s19 =	simm.s32 $_scs_section_size  }
0x9a: {  	s4 =	simm.s32 $_size__tile_overlayer_lowered;
	s5 =	simm.s32 $_tile_overlayer_lowered  }
0x9b: {  	s22 =	simm.s32 $0x1BFF;
	s21 =	sshll.u32 s5, $0x1;
	s2 =	sadd.s32 s19, s18  }
0x9c: {  	s6 =	simm.s32 $0x0;
	s20 =	sshll.u32 s4, $0x1;
	s4 =	sadd.s32 s21, s2  }
0x9d: {  	[timem:s6], [sflag:s22] =	dma.local [hbm:s4], s20  }
0x9e: {  	_ =	swait.ge [sflag:s22], s20  }
0x9f: {  	s3 =	ssub.s32 $0x0, s20;
	[sflag:s22] =	ssyncset.done $0x0  }
0xa0: {  	[sflag:s22] =	ssyncadd.s32 s3;
	_ =	sdelay $0x1  }
0xa1: {  	s23 =	simm.s32 $0x1B8B  }
0xa2: {  	_ =	swait.ge [sflag:s23], $0x1  }
0xa3: {  	[sflag:s23] =	ssyncset.done $0x0  }
0xa4: {  	s25 =	simm.s32 $0x1B8E;
	s24 =	sld [smem:$0x3FFE];
	[sflag:s23] =	ssyncadd.s32 $0xFFFFFFFF  }
0xa5: {  	s26 =	simm.s32 $execute0_lowered;
	[smem:$0x3FD2] =	sst s25  }
0xa6: {  	s4 =	sshll.u32 s26, $0x1;
	_ =	strace $0x80000046;
	[dreg:$0x1] =	wrdreg $0xFFFFFFFF  }
0xa7: {  	s28 =	simm.s32 $_size_execute0_lowered;
	s2 =	sadd.s32 s2, s4;
	[dreg:$0x0] =	wrdreg $0x0  }
0xa8: {  	s4 =	sshll.u32 s28, $0x1;
	[dreg:$0x2] =	wrdreg s2  }
0xa9: {  	[dreg:$0x3] =	wrdreg s4  }
0xaa: {  	[dreg:$0x4] =	wrdreg $0xC0  }
0xab: {  	_ =	task [dreg:s6], $0x5FFFF  }
0xac: {  	[dreg:$0x1] =	wrdreg $0xFFFFFFFF  }
0xad: {  	[dreg:$0x0] =	wrdreg $0x60  }
0xae: {  	[dreg:$0x2] =	wrdreg s24  }
0xaf: {  	[dreg:$0x3] =	wrdreg $0xA8000  }
0xb0: {  	[dreg:$0x4] =	wrdreg $0x9  }
0xb1: {  	_ =	task.clear_ibuf [dreg:s6], $0x5FFFF;
	_ =	strace $0x90000046  }
0xb2: {  	s29 =	simm.s32 $0x9;
	_ =	strace $0x80000048  }
0xb3: {  	_ =	swait.ge [sflag:s29], $0x1  }
0xb4: {  	[sflag:s29] =	ssyncadd.s32 $0xFFFFFFFF  }
0xb5: {  	_ =	strace $0x90000048  }
0xb6: {  	_ =	sfence  }
0xb7: {  	s30 =	sld [smem:$0x0];
	_ =	sdelay $0x2  }
0xb8: {  	s31 =	sshll.u32 s1, $0xD;
	s1 =	sshrl.u32 s1, $0x2  }
0xb9: {  	s3 =	sand.u32 $0x4000, s31;
	s1 =	sadd.s32 s1, s30  }
0xba: {  	s0 =	sor.u32 s3, s0;
	s1 =	sshll.u32 s1, $0x11  }
0xbb: {  	s0 =	sor.u32 s1, s0  }
0xbc: {  	s0 =	sadd.s32 $0x8F2B, s0  }
0xbd: {  	[sflag:s0] =	ssyncadd.remote.s32 $0x1  }
0xbe: {  	_ =	sfence.sel $0xFFFF  }
0xbf: {  	[dreg:$0x0] =	wrdreg $0xFFFFFFFF;
	(pc) =	sbr.abs _section_cstart, $3  }
0xc0: {  	[dreg:$0x1] =	wrdreg $0xFFFFFFFF  }
0xc1: {  	_ =	task.clear_ibuf [dreg:s6], $0x2FFFF;
	_ =	strace $0x9FFFFFFF  }
0xc2: {  	(tm) =	ssettm $0x7FFFFFFF  }
0xc3: {  	_ =	shalt  }
tec
execute0_lowered:
.L_overlay_start_1:
0x0: {  	(tag) =	ssettag $0x1  }
0x1: {  	s5 =	rddreg [dreg:$0x0]  }
0x2: {  	s2 =	rddreg [dreg:$0x1]  }
0x3: {  	s0 =	rddreg [dreg:$0x2]  }
0x4: {  	s3 =	simm.s32 $0x0;
	s1 =	stileid.u32;
	s4 =	srdreg.scid  }
0x5: {  	s17 =	simm.s32 $0x80;
	s18 =	simm.s32 $0x2800;
	s19 =	simm.s32 $0x6800  }
0x6: {  	s20 =	simm.s32 $0x3;
	s21 =	simm.s32 $0x1;
	s22 =	simm.s32 $0x2  }
0x7: {  	s23 =	simm.s32 $0x2700;
	s24 =	simm.s32 $0x2780;
	s6 =	smul.u32 $0x13C00, s1  }
0x8: {  	[smem:$0x7FF] =	sst s3;
	s7 =	sand.u32 $0x1, s4;
	s9 =	smul.u32 $0x4F000, s1  }
0x9: {  	s4 =	sadd.s32 $0x16200, s5;
	s10 =	sadd.s32 $0x2200, s5;
	s13 =	smul.u32 $0x2800, s1  }
0xa: {  	s11 =	sadd.s32 $0xC200, s5;
	_ =	strace $0x80000047;
	s8 =	smul.u32 $0x13C000, s7  }
0xb: {  	s25 =	smul.u32 $0x28000, s7;
	s7 =	ssub.s32 $0x2, s7;
	s12 =	sshrl.u32 s6, $0x3  }
0xc: {  	s26 =	sshrl.u32 s7, $0x1;
	s28 =	sshrl.u32 s9, $0x2;
	s6 =	sadd.s32 s6, s8  }
0xd: {  	s12 =	sadd.s32 s12, s5;
	s15 =	ssub.s32 s7, s26;
	s29 =	sadd.s32 s13, s25  }
0xe: {  	s16 =	sadd.s32 s28, s2;
	s25 =	simm.s32 $0x0;
	s6 =	sshrl.u32 s6, $0x3  }
0xf: {  	s30 =	sshrl.u32 s29, $0x3;
	s13 =	smax.u32 s15, $0x1;
	s15 =	simm.s32 $0x4  }
0x10: {  	s14 =	sadd.s32 s6, s5;
	s5 =	sshll.u32 s1, $0x6;
	s6 =	sadd.s32 $0x3D400, s12  }
0x11: {  	s31 =	sadd.s32 $0x280, s30;
	s8 =	sadd.s32 s10, s30;
	s9 =	sadd.s32 s11, s30  }
0x12: {  	s7 =	sor.u32 $0x1C03, s5;
	s10 =	sadd.s32 s10, s31;
	s11 =	sadd.s32 s11, s31  }
0x13: {  	s12 =	sadd.s32 $0x64C00, s14;
	s14 =	sshrl.u32 s16, $0x3;
	s16 =	simm.s32 $0x1400  }
.LBB2_1:
0x14: {  	[spmem:s14], [sflag:s7] =	dma.local [hbm:s6], $0x2780  }
0x15: {  	[tilespmem:s3], [sflag:$0x4] =	stream.linear.gather [hbm4b:s8+s3], $0x1400, $0x38;
	[tilespmem:$0x1E400] =	vst v63  }
0x16: {  	_ =	swait.ge [sflag:s15], $0x1400  }
0x17: {  	[sflag:s15] =	ssyncset.done $0x0  }
0x18: {  	[sflag:s15] =	ssyncadd.s32 $0xFFFFEC00  }
0x19: {  	[tilespmem:s16], [sflag:$0x4] =	stream.linear.gather [hbm4b:s9+s3], $0x1400, $0x38;
	[tilespmem:$0x1E400] =	vst v63  }
0x1a: {  	_ =	swait.ge [sflag:s15], $0x1400  }
0x1b: {  	[sflag:s15] =	ssyncset.done $0x0  }
0x1c: {  	[sflag:s15] =	ssyncadd.s32 $0xFFFFEC00  }
0x1d: {  	[tilespmem:s18], [sflag:$0x1] =	stream.indirect.gather [hbm4b:s4+s17], $0x80, s3, s17, $0xb8;
	[tilespmem:$0x1E400] =	vst v63  }
0x1e: {  	_ = 	snop  }
0x1f: {  	[tilespmem:s19], [sflag:$0x2] =	stream.indirect.gather [hbm4b:s4+s17], $0x80, s17, s17, $0xb8;
	[tilespmem:$0x1E400] =	vst v63  }
0x20: {  	_ =	swait.ge [sflag:s20], $0x2780  }
0x21: {  	[sflag:s20] =	ssyncset.done $0x0  }
0x22: {  	[sflag:s20] =	ssyncadd.s32 $0xFFFFD880  }
0x23: {  	[bflag:$0x0] =	sbarrier.arrive $0xFFFF  }
0x24: {  	_ =	swait.ge [sflag:s21], $0x4000  }
0x25: {  	[sflag:s21] =	ssyncset.done $0x0  }
0x26: {  	s26 =	simm.s32 $0x1400;
	[sflag:s21] =	ssyncadd.s32 $0xFFFFC000  }
0x27: {  	[spmem:s2] =	stream.indirect.scatter.add.f32 [tilespmem:s18], [sflag:$0x4], $0x80, s26, s17, $0xb8;
	[tilespmem:$0x1E400] =	vst v63  }
0x28: {  	_ =	swait.ge [sflag:s15], $0x4000  }
0x29: {  	[sflag:s15] =	ssyncset.done $0x0  }
0x2a: {  	s30 =	simm.s32 $0x100;
	[sflag:s15] =	ssyncadd.s32 $0xFFFFC000  }
0x2b: {  	[tilespmem:s18], [sflag:$0x1] =	stream.indirect.gather [hbm4b:s4+s17], $0x80, s30, s17, $0xb8;
	[tilespmem:$0x1E400] =	vst v63  }
0x2c: {  	_ =	swait.ge [sflag:s22], $0x4000  }
0x2d: {  	[sflag:s22] =	ssyncset.done $0x0  }
0x2e: {  	s31 =	simm.s32 $0x1480;
	[sflag:s22] =	ssyncadd.s32 $0xFFFFC000  }
0x2f: {  	[spmem:s2] =	stream.indirect.scatter.add.f32 [tilespmem:s19], [sflag:$0x4], $0x80, s31, s17, $0xb8;
	[tilespmem:$0x1E400] =	vst v63  }
0x30: {  	_ =	swait.ge [sflag:s15], $0x4000  }
0x31: {  	[sflag:s15] =	ssyncset.done $0x0  }
0x32: {  	s28 =	simm.s32 $0x180;
	s26 =	simm.s32 $0x400;
	[sflag:s15] =	ssyncadd.s32 $0xFFFFC000  }
.LBB2_2:
0x33: {  	[tilespmem:s19], [sflag:$0x2] =	stream.indirect.gather [hbm4b:s4+s17], $0x80, s28, s17, $0xb8;
	[tilespmem:$0x1E400] =	vst v63  }
0x34: {  	s28 =	smov.u32 s26  }
0x35: {  	p0 =	sne.s32 s26, $0x4800;
	s26 =	sadd.s32 $0x400, s26;
	_ =	swait.ge [sflag:s21], $0x4000  }
0x36: {  	s28 =	sshra.s32 s28, $0x2;
	[sflag:s21] =	ssyncset.done $0x0  }
0x37: {  	s29 =	sadd.s32 $0x1400, s28;
	[sflag:s21] =	ssyncadd.s32 $0xFFFFC000  }
0x38: {  	[spmem:s2] =	stream.indirect.scatter.add.f32 [tilespmem:s18], [sflag:$0x4], $0x80, s29, s17, $0xb8;
	[tilespmem:$0x1E400] =	vst v63  }
0x39: {  	_ =	swait.ge [sflag:s15], $0x4000  }
0x3a: {  	[sflag:s15] =	ssyncset.done $0x0  }
0x3b: {  	s29 =	sadd.s32 $0x100, s28;
	[sflag:s15] =	ssyncadd.s32 $0xFFFFC000  }
0x3c: {  	[tilespmem:s18], [sflag:$0x1] =	stream.indirect.gather [hbm4b:s4+s17], $0x80, s29, s17, $0xb8;
	[tilespmem:$0x1E400] =	vst v63  }
0x3d: {  	_ =	swait.ge [sflag:s22], $0x4000  }
0x3e: {  	[sflag:s22] =	ssyncset.done $0x0  }
.Ltmp0:
0x3f: {  	s29 =	sadd.s32 $0x1480, s28;
	[sflag:s22] =	ssyncadd.s32 $0xFFFFC000;
	(pc) =	sbr.rel @p0 .LBB2_2-.Ltmp0, $4  }
0x40: {  	[spmem:s2] =	stream.indirect.scatter.add.f32 [tilespmem:s19], [sflag:$0x4], $0x80, s29, s17, $0xb8;
	[tilespmem:$0x1E400] =	vst v63  }
0x41: {  	_ =	swait.ge [sflag:s15], $0x4000  }
0x42: {  	[sflag:s15] =	ssyncset.done $0x0  }
0x43: {  	s28 =	sadd.s32 $0x180, s28;
	[sflag:s15] =	ssyncadd.s32 $0xFFFFC000  }
0x44: {  	[tilespmem:s19], [sflag:$0x2] =	stream.indirect.gather [hbm4b:s4+s17], $0x80, s28, s17, $0xb8;
	[tilespmem:$0x1E400] =	vst v63  }
0x45: {  	_ =	swait.ge [sflag:s21], $0x4000  }
0x46: {  	[sflag:s21] =	ssyncset.done $0x0  }
0x47: {  	[sflag:s21] =	ssyncadd.s32 $0xFFFFC000  }
0x48: {  	[spmem:s2] =	stream.indirect.scatter.add.f32 [tilespmem:s18], [sflag:$0x4], $0x80, s23, s17, $0xb8;
	[tilespmem:$0x1E400] =	vst v63  }
0x49: {  	_ =	swait.ge [sflag:s15], $0x4000  }
0x4a: {  	[sflag:s15] =	ssyncset.done $0x0  }
0x4b: {  	[sflag:s15] =	ssyncadd.s32 $0xFFFFC000  }
0x4c: {  	_ =	swait.ge [sflag:s22], $0x4000  }
0x4d: {  	[sflag:s22] =	ssyncset.done $0x0  }
0x4e: {  	[sflag:s22] =	ssyncadd.s32 $0xFFFFC000  }
0x4f: {  	[spmem:s2] =	stream.indirect.scatter.add.f32 [tilespmem:s19], [sflag:$0x4], $0x80, s24, s17, $0xb8;
	[tilespmem:$0x1E400] =	vst v63  }
0x50: {  	_ =	swait.ge [sflag:s15], $0x4000  }
0x51: {  	[sflag:s15] =	ssyncset.done $0x0  }
0x52: {  	s26 =	simm.s32 $0x0;
	[sflag:s15] =	ssyncadd.s32 $0xFFFFC000  }
0x53: {  	[tilespmem:s26], [sflag:$0x4] =	stream.linear.gather [hbm4b:s10+s26], $0x1400, $0x38;
	[tilespmem:$0x1E400] =	vst v63  }
0x54: {  	_ =	swait.ge [sflag:s15], $0x1400  }
0x55: {  	[sflag:s15] =	ssyncset.done $0x0  }
0x56: {  	[sflag:s15] =	ssyncadd.s32 $0xFFFFEC00  }
0x57: {  	[tilespmem:s16], [sflag:$0x4] =	stream.linear.gather [hbm4b:s11+s26], $0x1400, $0x38;
	[tilespmem:$0x1E400] =	vst v63  }
0x58: {  	_ =	swait.ge [sflag:s15], $0x1400  }
0x59: {  	[sflag:s15] =	ssyncset.done $0x0  }
0x5a: {  	[sflag:s15] =	ssyncadd.s32 $0xFFFFEC00  }
0x5b: {  	[tilespmem:s18], [sflag:$0x1] =	stream.indirect.gather [hbm4b:s4+s17], $0x80, s26, s17, $0xb8;
	[tilespmem:$0x1E400] =	vst v63  }
0x5c: {  	_ = 	snop  }
0x5d: {  	[tilespmem:s19], [sflag:$0x2] =	stream.indirect.gather [hbm4b:s4+s17], $0x80, s17, s17, $0xb8;
	[tilespmem:$0x1E400] =	vst v63  }
0x5e: {  	_ =	swait.ge [sflag:s21], $0x4000  }
0x5f: {  	[sflag:s21] =	ssyncset.done $0x0  }
0x60: {  	s29 =	simm.s32 $0x1400;
	[sflag:s21] =	ssyncadd.s32 $0xFFFFC000  }
0x61: {  	[spmem:s2] =	stream.indirect.scatter.add.f32 [tilespmem:s18], [sflag:$0x4], $0x80, s29, s17, $0xb8;
	[tilespmem:$0x1E400] =	vst v63  }
0x62: {  	_ =	swait.ge [sflag:s15], $0x4000  }
0x63: {  	[sflag:s15] =	ssyncset.done $0x0  }
0x64: {  	s30 =	simm.s32 $0x100;
	[sflag:s15] =	ssyncadd.s32 $0xFFFFC000  }
0x65: {  	[tilespmem:s18], [sflag:$0x1] =	stream.indirect.gather [hbm4b:s4+s17], $0x80, s30, s17, $0xb8;
	[tilespmem:$0x1E400] =	vst v63  }
0x66: {  	_ =	swait.ge [sflag:s22], $0x4000  }
0x67: {  	[sflag:s22] =	ssyncset.done $0x0  }
0x68: {  	s31 =	simm.s32 $0x1480;
	[sflag:s22] =	ssyncadd.s32 $0xFFFFC000  }
0x69: {  	[spmem:s2] =	stream.indirect.scatter.add.f32 [tilespmem:s19], [sflag:$0x4], $0x80, s31, s17, $0xb8;
	[tilespmem:$0x1E400] =	vst v63  }
0x6a: {  	_ =	swait.ge [sflag:s15], $0x4000  }
0x6b: {  	[sflag:s15] =	ssyncset.done $0x0  }
0x6c: {  	s28 =	simm.s32 $0x180;
	s26 =	simm.s32 $0x400;
	[sflag:s15] =	ssyncadd.s32 $0xFFFFC000  }
.LBB2_4:
0x6d: {  	[tilespmem:s19], [sflag:$0x2] =	stream.indirect.gather [hbm4b:s4+s17], $0x80, s28, s17, $0xb8;
	[tilespmem:$0x1E400] =	vst v63  }
0x6e: {  	s28 =	smov.u32 s26  }
0x6f: {  	p0 =	sne.s32 s26, $0x4800;
	s26 =	sadd.s32 $0x400, s26;
	_ =	swait.ge [sflag:s21], $0x4000  }
0x70: {  	s28 =	sshra.s32 s28, $0x2;
	[sflag:s21] =	ssyncset.done $0x0  }
0x71: {  	s29 =	sadd.s32 $0x1400, s28;
	[sflag:s21] =	ssyncadd.s32 $0xFFFFC000  }
0x72: {  	[spmem:s2] =	stream.indirect.scatter.add.f32 [tilespmem:s18], [sflag:$0x4], $0x80, s29, s17, $0xb8;
	[tilespmem:$0x1E400] =	vst v63  }
0x73: {  	_ =	swait.ge [sflag:s15], $0x4000  }
0x74: {  	[sflag:s15] =	ssyncset.done $0x0  }
0x75: {  	s29 =	sadd.s32 $0x100, s28;
	[sflag:s15] =	ssyncadd.s32 $0xFFFFC000  }
0x76: {  	[tilespmem:s18], [sflag:$0x1] =	stream.indirect.gather [hbm4b:s4+s17], $0x80, s29, s17, $0xb8;
	[tilespmem:$0x1E400] =	vst v63  }
0x77: {  	_ =	swait.ge [sflag:s22], $0x4000  }
0x78: {  	[sflag:s22] =	ssyncset.done $0x0  }
.Ltmp1:
0x79: {  	s29 =	sadd.s32 $0x1480, s28;
	[sflag:s22] =	ssyncadd.s32 $0xFFFFC000;
	(pc) =	sbr.rel @p0 .LBB2_4-.Ltmp1, $4  }
0x7a: {  	[spmem:s2] =	stream.indirect.scatter.add.f32 [tilespmem:s19], [sflag:$0x4], $0x80, s29, s17, $0xb8;
	[tilespmem:$0x1E400] =	vst v63  }
0x7b: {  	_ =	swait.ge [sflag:s15], $0x4000  }
0x7c: {  	[sflag:s15] =	ssyncset.done $0x0  }
0x7d: {  	s28 =	sadd.s32 $0x180, s28;
	[sflag:s15] =	ssyncadd.s32 $0xFFFFC000  }
0x7e: {  	[tilespmem:s19], [sflag:$0x2] =	stream.indirect.gather [hbm4b:s4+s17], $0x80, s28, s17, $0xb8;
	[tilespmem:$0x1E400] =	vst v63  }
0x7f: {  	_ =	swait.ge [sflag:s21], $0x4000  }
0x80: {  	[sflag:s21] =	ssyncset.done $0x0  }
0x81: {  	[sflag:s21] =	ssyncadd.s32 $0xFFFFC000  }
0x82: {  	[spmem:s2] =	stream.indirect.scatter.add.f32 [tilespmem:s18], [sflag:$0x4], $0x80, s23, s17, $0xb8;
	[tilespmem:$0x1E400] =	vst v63  }
0x83: {  	_ =	swait.ge [sflag:s15], $0x4000  }
0x84: {  	[sflag:s15] =	ssyncset.done $0x0  }
0x85: {  	[sflag:s15] =	ssyncadd.s32 $0xFFFFC000  }
0x86: {  	_ =	swait.ge [sflag:s22], $0x4000  }
0x87: {  	[sflag:s22] =	ssyncset.done $0x0  }
0x88: {  	[sflag:s22] =	ssyncadd.s32 $0xFFFFC000  }
0x89: {  	[spmem:s2] =	stream.indirect.scatter.add.f32 [tilespmem:s19], [sflag:$0x4], $0x80, s24, s17, $0xb8;
	[tilespmem:$0x1E400] =	vst v63  }
0x8a: {  	_ =	swait.ge [sflag:s15], $0x4000  }
0x8b: {  	s25 =	sadd.s32 $0x1, s25;
	[sflag:s15] =	ssyncset.done $0x0  }
0x8c: {  	p0 =	sne.s32 s25, s13;
	[sflag:s15] =	ssyncadd.s32 $0xFFFFC000  }
.Ltmp2:
0x8d: {  	s26 =	sor.u32 $0x1C04, s5;
	[bflag:$0x0] =	sbarrier.arrive $0xFFFF;
	(pc) =	sbr.rel @p0 .LBB2_1-.Ltmp2, $4  }
0x8e: {  	[hbm:s12], [sflag:s26] =	dma.local [spmem:s14], $0x2780  }
0x8f: {  	_ =	swait.ge [sflag:s15], $0x2780  }
0x90: {  	[sflag:s15] =	ssyncset.done $0x0  }
0x91: {  	[sflag:s15] =	ssyncadd.s32 $0xFFFFD880  }
0x92: {  	_ =	sfence.sel $0x180000  }
0x93: {  	[bflag:$0x0] =	sbarrier.arrive $0xFFFF  }
0x94: {  	p0 =	sne.s32 s1, $0x0;
	_ =	strace $0x90000047  }
0x95: {  	s0 =	sadd.s32 @!p0 $0x100000, s0;
	[bflag:$0x2] =	sbarrier.arrive $0xFFFF  }
0x96: {  	[sflag:s0] =	ssyncadd.tile.s32 @!p0 $0x1;
	_ =	shalt  }
.Lfunc_end2:
_tile_overlayer_lowered:
.L_overlay_start_2:
0x97: {  	(tag) =	ssettag $0x2  }
0x98: {  	s0 =	rddreg [dreg:$0x0];
	s2 =	stileid.u32  }
0x99: {  	s1 =	rddreg [dreg:$0x1];
	p0 =	sne.s32 s2, $0x0  }
0x9a: {  	s3 =	rddreg [dreg:$0x2];
	[bflag:$0x3] =	sbarrier.arrive $0xFFFF;
	s2 =	simm.s32 @!p0 $0x1C04  }
0x9b: {  	[timem:s3], [sflag:s2] =	dma.local @!p0 [hbm:s0], s1  }
0x9c: {  	s0 =	simm.s32 @!p0 $0x4  }
0x9d: {  	_ =	swait.ge @!p0 [sflag:s0], s1  }
0x9e: {  	s1 =	ssub.s32 @!p0 $0x0, s1;
	[sflag:s0] =	ssyncset.done @!p0 $0x0  }
0x9f: {  	[sflag:s0] =	ssyncadd.s32 @!p0 s1  }
0xa0: {  	[bflag:$0x3] =	sbarrier.arrive $0xFFFF  }
0xa1: {  	_ =	shalt  }

</sc_bundles>
